<compile_context>
chip_gen: v7x
topology: tpu7x:2x2x1
jax: 0.10.2.dev20260603
libtpu: 0.0.44.dev20260713+nightly
codegen_flags: <defaults>
</compile_context>

<pallas_src>
import functools

import jax
import jax.numpy as jnp
from jax import lax
from jax.experimental import pallas as pl
from jax.experimental.pallas import tpu as pltpu
from jax.experimental.pallas import tpu_sc as plsc

_NC = 2
_NS = 16
_NW = _NC * _NS
_LANES = 16

_CHUNK = 4096


def _fold_coefs(a2, b2, basis, omega):
  n_rows, d = basis.shape[0], omega.shape[1]
  n_poly = n_rows // 4

  def body(a_ref, b_ref, basis_ref, omega_ref, o_ref):
    coefs = jnp.dot(basis_ref[...], omega_ref[...],
                    preferred_element_type=jnp.float32)
    r = lax.broadcasted_iota(jnp.int32, coefs.shape, 0)
    seg = (r // 4).astype(jnp.float32)
    i = r % 4
    av = a_ref[...]
    bav = (b_ref[...] - av) * (1.0 / n_poly)
    adj0 = av + seg * bav
    adj1 = jnp.broadcast_to(bav, coefs.shape)
    zero = jnp.zeros_like(coefs)
    o_ref[...] = coefs + jnp.where(i == 0, adj0,
                                   jnp.where(i == 1, adj1, zero))

  return pl.pallas_call(
      body,
      out_shape=jax.ShapeDtypeStruct((n_rows, d), jnp.float32),
  )(a2, b2, basis, omega)


def _sc_spline(t, ctab, n, d):
  per_w = n // _NW
  n_chunks = per_w // _CHUNK
  n_pairs = n_chunks // 2
  steps = _CHUNK // _LANES
  sub_per_blk = 128 // _LANES
  mesh = plsc.VectorSubcoreMesh(
      core_axis_name="c", subcore_axis_name="s",
      num_cores=_NC, num_subcores=_NS)

  @functools.partial(
      pl.kernel,
      out_type=jax.ShapeDtypeStruct((n * d,), jnp.float32),
      mesh=mesh,
      compiler_params=pltpu.CompilerParams(needs_layout_passes=False),
      scratch_types=[
          pltpu.VMEM((16 * d,), jnp.float32),
          pltpu.VMEM((4 * d,), jnp.float32),
          pltpu.VMEM((4 * d,), jnp.float32),
          pltpu.VMEM((4 * d,), jnp.float32),
          pltpu.VMEM((4 * d,), jnp.float32),
          pltpu.VMEM((_CHUNK,), jnp.float32),
          pltpu.VMEM((_CHUNK,), jnp.float32),
          pltpu.VMEM((_CHUNK * 8,), jnp.float32),
          pltpu.VMEM((_CHUNK * 8,), jnp.float32),
          pltpu.SemaphoreType.DMA,
          pltpu.SemaphoreType.DMA,
          pltpu.SemaphoreType.DMA,
          pltpu.SemaphoreType.DMA,
      ],
  )
  def run(t_hbm, c_hbm, out_hbm, cfb, cb0, cb1, cb2, cb3,
          tba, tbb, oba, obb, tsa, tsb, osa, osb):
    wid = lax.axis_index("s") * _NC + lax.axis_index("c")
    pltpu.sync_copy(c_hbm, cfb)
    io = lax.iota(jnp.int32, _LANES)
    base_pat = (io // d) * (4 * d) + (io % d)
    for i, cb in enumerate((cb0, cb1, cb2, cb3)):
      for h in range(4 * d // _LANES):
        v = plsc.load_gather(
            cfb, [base_pat + (h * (_LANES // d) * (4 * d) + i * d)])
        cb[pl.ds(h * _LANES, _LANES)] = v
    base_el = wid * per_w

    def t_slice(ci):
      return t_hbm.at[pl.ds(base_el + ci * _CHUNK, _CHUNK)]

    def o_slice(ci):
      return out_hbm.at[pl.ds((base_el + ci * _CHUNK) * d, _CHUNK * d)]

    def compute(tb, ob):
      @plsc.parallel_loop(0, steps, unroll=2)
      def step(j):
        tv = tb[pl.ds(j * _LANES, _LANES)]
        t4 = tv * 4.0
        segi = jnp.minimum(t4.astype(jnp.int32), 3)
        lt = t4 - segi.astype(jnp.float32)
        lt2 = lt * lt
        lt3 = lt2 * lt
        gi = segi * d
        boff = (j // sub_per_blk) * (128 * d) + (j % sub_per_blk) * _LANES
        for dd in range(d):
          g = gi + dd
          c0 = plsc.load_gather(cb0, [g])
          c1 = plsc.load_gather(cb1, [g])
          c2 = plsc.load_gather(cb2, [g])
          c3 = plsc.load_gather(cb3, [g])
          po = c0 + c1 * lt + c2 * lt2 + c3 * lt3
          ob[pl.ds(boff + dd * 128, _LANES)] = po

    pltpu.async_copy(t_slice(0), tba, tsa)
    pltpu.async_copy(t_slice(1), tbb, tsb)

    def pair_body(k, carry):
      c0i = 2 * k
      c1i = c0i + 1
      pltpu.make_async_copy(t_slice(c0i), tba, tsa).wait()

      @pl.when(k > 0)
      def _():
        pltpu.make_async_copy(oba, o_slice(c0i), osa).wait()

      compute(tba, oba)
      pltpu.async_copy(oba, o_slice(c0i), osa)

      @pl.when(k < n_pairs - 1)
      def _():
        pltpu.async_copy(t_slice(c0i + 2), tba, tsa)

      pltpu.make_async_copy(t_slice(c1i), tbb, tsb).wait()

      @pl.when(k > 0)
      def _():
        pltpu.make_async_copy(obb, o_slice(c1i), osb).wait()

      compute(tbb, obb)
      pltpu.async_copy(obb, o_slice(c1i), osb)

      @pl.when(k < n_pairs - 1)
      def _():
        pltpu.async_copy(t_slice(c1i + 2), tbb, tsb)

      return carry

    lax.fori_loop(0, n_pairs, pair_body, 0)
    pltpu.make_async_copy(oba, o_slice(n_chunks - 2), osa).wait()
    pltpu.make_async_copy(obb, o_slice(n_chunks - 1), osb).wait()

  return run(t, ctab)


def kernel(t, a, b, basis, omega):
  n = t.shape[0]
  d = omega.shape[1]
  cflat = _fold_coefs(a.reshape(1, d), b.reshape(1, d), basis,
                      omega).reshape(-1)
  flat = _sc_spline(t, cflat, n, d)
  return flat.reshape(n // 128, d, 128).transpose(0, 2, 1).reshape(n, d)

# --- scband reference (transcript-rebuilt; emitter-appended) ---
"""Pipeline reference for scband-syrota-spline-30863634989644 (READ-ONLY COPY).

The authoritative reference and input builder live on the scoring server;
editing this copy changes nothing except your own understanding.
"""

import jax, jax.numpy as jnp
import numpy as np

N = 2097152
D = 8
N_BASIS = 16
BASIS_ROWS = 16  # 4 * n_poly, n_poly = 4


def setup_inputs(seed: int = 0) -> dict:
    key = jax.random.key(seed)
    k1, k2 = jax.random.split(key)
    t = jax.random.uniform(k1, (N,), dtype=jnp.float32)
    a = jnp.zeros((D,), dtype=jnp.float32)
    b = jnp.ones((D,), dtype=jnp.float32)
    basis = jnp.eye(BASIS_ROWS, N_BASIS, dtype=jnp.float32)
    omega = jax.random.normal(k2, (N_BASIS, D), dtype=jnp.float32) * 0.02
    return {"t": t, "a": a, "b": b, "basis": basis, "omega": omega}


def reference(t, a, b, basis, omega):
    line = (1.0 - t)[:, None] * a + t[:, None] * b
    n_poly = basis.shape[0] // 4
    seg = jnp.minimum(jnp.floor(t * n_poly).astype(jnp.int32), n_poly - 1)
    local_t = t * n_poly - seg.astype(jnp.float32)
    tp = jnp.stack([jnp.ones_like(local_t), local_t, local_t ** 2, local_t ** 3], axis=1)
    coefs = basis @ omega
    coefs = coefs.reshape(n_poly, 4, -1)
    segment_coefs = coefs[seg]
    poly = jnp.einsum('ni,nid->nd', tp, segment_coefs)
    return line + poly

if __name__ == "__main__":
    import jax
    _d = setup_inputs()
    print(jax.jit(kernel)(*tuple(_d.values())))

</pallas_src>

<mosaic_0001>
#map = affine_map<(d0, d1) -> (0)>
module attributes {stable_mosaic.version = 14 : i64} {
  func.func @run(%arg0: i32, %arg1: i32, %arg2: memref<2097152xf32, #tpu.memory_space<hbm>>, %arg3: memref<128xf32, #tpu.memory_space<hbm>>, %arg4: memref<16777216xf32, #tpu.memory_space<hbm>>, %arg5: memref<128xf32, #tpu.memory_space<vmem>>, %arg6: memref<32xf32, #tpu.memory_space<vmem>>, %arg7: memref<32xf32, #tpu.memory_space<vmem>>, %arg8: memref<32xf32, #tpu.memory_space<vmem>>, %arg9: memref<32xf32, #tpu.memory_space<vmem>>, %arg10: memref<4096xf32, #tpu.memory_space<vmem>>, %arg11: memref<4096xf32, #tpu.memory_space<vmem>>, %arg12: memref<32768xf32, #tpu.memory_space<vmem>>, %arg13: memref<32768xf32, #tpu.memory_space<vmem>>, %arg14: memref<!tpu.dma_semaphore, #tpu.memory_space<semaphore_mem>>, %arg15: memref<!tpu.dma_semaphore, #tpu.memory_space<semaphore_mem>>, %arg16: memref<!tpu.dma_semaphore, #tpu.memory_space<semaphore_mem>>, %arg17: memref<!tpu.dma_semaphore, #tpu.memory_space<semaphore_mem>>) attributes {dimension_semantics = [#tpu.dimension_semantics<core_parallel>, #tpu.dimension_semantics<subcore_parallel>], iteration_bounds = array<i64: 2, 16>, scalar_prefetch = 0 : i64, scratch_operands = 13 : i64, tpu.core_type = #tpu.core_type<sc_vector_subcore>, window_params = [{transform_indices = #map}, {transform_indices = #map}, {transform_indices = #map}]} {
    %mul3A = arith.constant 2 : i32
    %mul3A_0 = arith.muli %arg1, %mul3A : i32
    %add3A = arith.addi %mul3A_0, %arg0 : i32
    "tpu.region"() ({
      %run_scoped3A = tpu.sem_alloc : memref<!tpu.dma_semaphore, #tpu.memory_space<semaphore_mem>>
      tpu.enqueue_dma source(%arg3 : memref<128xf32, #tpu.memory_space<hbm>>) target(%arg5 : memref<128xf32, #tpu.memory_space<vmem>>) target_semaphore(%run_scoped3A : memref<!tpu.dma_semaphore, #tpu.memory_space<semaphore_mem>>)
      tpu.wait_dma2 semaphore(%run_scoped3A : memref<!tpu.dma_semaphore, #tpu.memory_space<semaphore_mem>>) src(%arg3 : memref<128xf32, #tpu.memory_space<hbm>>) dst(%arg5 : memref<128xf32, #tpu.memory_space<vmem>>)
      tpu.yield
    }) : () -> ()
    %iota3A = tpu.iota {dimensions = array<i32: 0>} : vector<16xi32>
    %jit3A = arith.constant 8 : i32
    %div3A = vector.broadcast %jit3A : i32 to vector<16xi32>
    %div3A_1 = arith.divsi %iota3A, %div3A : vector<16xi32>
    %sign3A = arith.constant 0 : i32
    %sign3A_2 = vector.broadcast %sign3A : i32 to vector<16xi32>
    %sign3A_3 = arith.cmpi sgt, %iota3A, %sign3A_2 : vector<16xi32>
    %sign3A_4 = arith.extui %sign3A_3 : vector<16xi1> to vector<16xi32>
    %sign3A_5 = arith.constant 0 : i32
    %sign3A_6 = vector.broadcast %sign3A_5 : i32 to vector<16xi32>
    %sign3A_7 = arith.cmpi slt, %iota3A, %sign3A_6 : vector<16xi32>
    %sign3A_8 = arith.extui %sign3A_7 : vector<16xi1> to vector<16xi32>
    %sign3A_9 = arith.subi %sign3A_4, %sign3A_8 : vector<16xi32>
    %sign3A_10 = arith.constant 0 : i32
    %sign3A_11 = arith.cmpi sgt, %jit3A, %sign3A_10 : i32
    %sign3A_12 = arith.extui %sign3A_11 : i1 to i32
    %sign3A_13 = arith.constant 0 : i32
    %sign3A_14 = arith.cmpi slt, %jit3A, %sign3A_13 : i32
    %sign3A_15 = arith.extui %sign3A_14 : i1 to i32
    %sign3A_16 = arith.subi %sign3A_12, %sign3A_15 : i32
    %ne3A = vector.broadcast %sign3A_16 : i32 to vector<16xi32>
    %ne3A_17 = arith.cmpi ne, %sign3A_9, %ne3A : vector<16xi32>
    %rem3A = vector.broadcast %jit3A : i32 to vector<16xi32>
    %rem3A_18 = arith.remsi %iota3A, %rem3A : vector<16xi32>
    %ne3A_19 = arith.constant 0 : i32
    %ne3A_20 = vector.broadcast %ne3A_19 : i32 to vector<16xi32>
    %ne3A_21 = arith.cmpi ne, %rem3A_18, %ne3A_20 : vector<16xi32>
    %and3A = arith.andi %ne3A_17, %ne3A_21 : vector<16xi1>
    %sub3A = arith.constant 1 : i32
    %sub3A_22 = vector.broadcast %sub3A : i32 to vector<16xi32>
    %sub3A_23 = arith.subi %div3A_1, %sub3A_22 : vector<16xi32>
    %select_n3A = arith.select %and3A, %sub3A_23, %div3A_1 : vector<16xi1>, vector<16xi32>
    %mul3A_24 = arith.constant 32 : i32
    %mul3A_25 = vector.broadcast %mul3A_24 : i32 to vector<16xi32>
    %mul3A_26 = arith.muli %select_n3A, %mul3A_25 : vector<16xi32>
    %jit3A_27 = arith.constant 8 : i32
    %eq3A = arith.constant 0 : i32
    %eq3A_28 = arith.cmpi eq, %jit3A_27, %eq3A : i32
    %jit3A_29 = arith.constant 1 : i32
    %select_n3A_30 = arith.select %eq3A_28, %jit3A_29, %jit3A_27 : i32
    %rem3A_31 = vector.broadcast %select_n3A_30 : i32 to vector<16xi32>
    %rem3A_32 = arith.remsi %iota3A, %rem3A_31 : vector<16xi32>
    %ne3A_33 = arith.constant 0 : i32
    %ne3A_34 = vector.broadcast %ne3A_33 : i32 to vector<16xi32>
    %ne3A_35 = arith.cmpi ne, %rem3A_32, %ne3A_34 : vector<16xi32>
    %lt3A = arith.constant 0 : i32
    %lt3A_36 = vector.broadcast %lt3A : i32 to vector<16xi32>
    %lt3A_37 = arith.cmpi slt, %rem3A_32, %lt3A_36 : vector<16xi32>
    %lt3A_38 = arith.constant 0 : i32
    %lt3A_39 = arith.cmpi slt, %select_n3A_30, %lt3A_38 : i32
    %ne3A_40 = vector.broadcast %lt3A_39 : i1 to vector<16xi1>
    %ne3A_41 = vector.broadcast %ne3A_40 : vector<16xi1> to vector<16xi1>
    %ne3A_42 = arith.xori %lt3A_37, %ne3A_41 : vector<16xi1>
    %and3A_43 = arith.andi %ne3A_42, %ne3A_35 : vector<16xi1>
    %add3A_44 = vector.broadcast %select_n3A_30 : i32 to vector<16xi32>
    %add3A_45 = arith.addi %rem3A_32, %add3A_44 : vector<16xi32>
    %select_n3A_46 = arith.select %and3A_43, %add3A_45, %rem3A_32 : vector<16xi1>, vector<16xi32>
    %add3A_47 = arith.addi %mul3A_26, %select_n3A_46 : vector<16xi32>
    %add3A_48 = arith.constant 0 : i32
    %add3A_49 = vector.broadcast %add3A_48 : i32 to vector<16xi32>
    %add3A_50 = arith.addi %add3A_47, %add3A_49 : vector<16xi32>
    %gather3A = tpu.vector_load_idx %arg5[%add3A_50] : memref<128xf32, #tpu.memory_space<vmem>>[vector<16xi32>], vector<16xf32>,
    %swap3A = arith.constant 0 : index
    %swap3A_51 = tpu.vector_load %arg6[%swap3A] {strides = array<i32>} : memref<32xf32, #tpu.memory_space<vmem>>, vector<16xf32>,
    tpu.vector_store %arg6[%swap3A], %gather3A {strides = array<i32>} : memref<32xf32, #tpu.memory_space<vmem>>, vector<16xf32>,
    %add3A_52 = arith.constant 64 : i32
    %add3A_53 = vector.broadcast %add3A_52 : i32 to vector<16xi32>
    %add3A_54 = arith.addi %add3A_47, %add3A_53 : vector<16xi32>
    %gather3A_55 = tpu.vector_load_idx %arg5[%add3A_54] : memref<128xf32, #tpu.memory_space<vmem>>[vector<16xi32>], vector<16xf32>,
    %swap3A_56 = arith.constant 16 : index
    %swap3A_57 = tpu.vector_load %arg6[%swap3A_56] {strides = array<i32>} : memref<32xf32, #tpu.memory_space<vmem>>, vector<16xf32>,
    tpu.vector_store %arg6[%swap3A_56], %gather3A_55 {strides = array<i32>} : memref<32xf32, #tpu.memory_space<vmem>>, vector<16xf32>,
    %add3A_58 = arith.constant 8 : i32
    %add3A_59 = vector.broadcast %add3A_58 : i32 to vector<16xi32>
    %add3A_60 = arith.addi %add3A_47, %add3A_59 : vector<16xi32>
    %gather3A_61 = tpu.vector_load_idx %arg5[%add3A_60] : memref<128xf32, #tpu.memory_space<vmem>>[vector<16xi32>], vector<16xf32>,
    %swap3A_62 = arith.constant 0 : index
    %swap3A_63 = tpu.vector_load %arg7[%swap3A_62] {strides = array<i32>} : memref<32xf32, #tpu.memory_space<vmem>>, vector<16xf32>,
    tpu.vector_store %arg7[%swap3A_62], %gather3A_61 {strides = array<i32>} : memref<32xf32, #tpu.memory_space<vmem>>, vector<16xf32>,
    %add3A_64 = arith.constant 72 : i32
    %add3A_65 = vector.broadcast %add3A_64 : i32 to vector<16xi32>
    %add3A_66 = arith.addi %add3A_47, %add3A_65 : vector<16xi32>
    %gather3A_67 = tpu.vector_load_idx %arg5[%add3A_66] : memref<128xf32, #tpu.memory_space<vmem>>[vector<16xi32>], vector<16xf32>,
    %swap3A_68 = arith.constant 16 : index
    %swap3A_69 = tpu.vector_load %arg7[%swap3A_68] {strides = array<i32>} : memref<32xf32, #tpu.memory_space<vmem>>, vector<16xf32>,
    tpu.vector_store %arg7[%swap3A_68], %gather3A_67 {strides = array<i32>} : memref<32xf32, #tpu.memory_space<vmem>>, vector<16xf32>,
    %add3A_70 = arith.constant 16 : i32
    %add3A_71 = vector.broadcast %add3A_70 : i32 to vector<16xi32>
    %add3A_72 = arith.addi %add3A_47, %add3A_71 : vector<16xi32>
    %gather3A_73 = tpu.vector_load_idx %arg5[%add3A_72] : memref<128xf32, #tpu.memory_space<vmem>>[vector<16xi32>], vector<16xf32>,
    %swap3A_74 = arith.constant 0 : index
    %swap3A_75 = tpu.vector_load %arg8[%swap3A_74] {strides = array<i32>} : memref<32xf32, #tpu.memory_space<vmem>>, vector<16xf32>,
    tpu.vector_store %arg8[%swap3A_74], %gather3A_73 {strides = array<i32>} : memref<32xf32, #tpu.memory_space<vmem>>, vector<16xf32>,
    %add3A_76 = arith.constant 80 : i32
    %add3A_77 = vector.broadcast %add3A_76 : i32 to vector<16xi32>
    %add3A_78 = arith.addi %add3A_47, %add3A_77 : vector<16xi32>
    %gather3A_79 = tpu.vector_load_idx %arg5[%add3A_78] : memref<128xf32, #tpu.memory_space<vmem>>[vector<16xi32>], vector<16xf32>,
    %swap3A_80 = arith.constant 16 : index
    %swap3A_81 = tpu.vector_load %arg8[%swap3A_80] {strides = array<i32>} : memref<32xf32, #tpu.memory_space<vmem>>, vector<16xf32>,
    tpu.vector_store %arg8[%swap3A_80], %gather3A_79 {strides = array<i32>} : memref<32xf32, #tpu.memory_space<vmem>>, vector<16xf32>,
    %add3A_82 = arith.constant 24 : i32
    %add3A_83 = vector.broadcast %add3A_82 : i32 to vector<16xi32>
    %add3A_84 = arith.addi %add3A_47, %add3A_83 : vector<16xi32>
    %gather3A_85 = tpu.vector_load_idx %arg5[%add3A_84] : memref<128xf32, #tpu.memory_space<vmem>>[vector<16xi32>], vector<16xf32>,
    %swap3A_86 = arith.constant 0 : index
    %swap3A_87 = tpu.vector_load %arg9[%swap3A_86] {strides = array<i32>} : memref<32xf32, #tpu.memory_space<vmem>>, vector<16xf32>,
    tpu.vector_store %arg9[%swap3A_86], %gather3A_85 {strides = array<i32>} : memref<32xf32, #tpu.memory_space<vmem>>, vector<16xf32>,
    %add3A_88 = arith.constant 88 : i32
    %add3A_89 = vector.broadcast %add3A_88 : i32 to vector<16xi32>
    %add3A_90 = arith.addi %add3A_47, %add3A_89 : vector<16xi32>
    %gather3A_91 = tpu.vector_load_idx %arg5[%add3A_90] : memref<128xf32, #tpu.memory_space<vmem>>[vector<16xi32>], vector<16xf32>,
    %swap3A_92 = arith.constant 16 : index
    %swap3A_93 = tpu.vector_load %arg9[%swap3A_92] {strides = array<i32>} : memref<32xf32, #tpu.memory_space<vmem>>, vector<16xf32>,
    tpu.vector_store %arg9[%swap3A_92], %gather3A_91 {strides = array<i32>} : memref<32xf32, #tpu.memory_space<vmem>>, vector<16xf32>,
    %mul3A_94 = arith.constant 65536 : i32
    %mul3A_95 = arith.muli %add3A, %mul3A_94 : i32
    %add3A_96 = arith.constant 0 : i32
    %add3A_97 = arith.addi %mul3A_95, %add3A_96 : i32
    %dma_start3A = tpu.memref_slice %arg2[%add3A_97] : memref<2097152xf32, #tpu.memory_space<hbm>> -> memref<4096xf32, #tpu.memory_space<hbm>>
    %dma_start3A_98 = tpu.memref_slice %arg2[%add3A_97] : memref<2097152xf32, #tpu.memory_space<hbm>> -> memref<4096xf32, #tpu.memory_space<hbm>>
    tpu.enqueue_dma source(%dma_start3A_98 : memref<4096xf32, #tpu.memory_space<hbm>>) target(%arg10 : memref<4096xf32, #tpu.memory_space<vmem>>) target_semaphore(%arg14 : memref<!tpu.dma_semaphore, #tpu.memory_space<semaphore_mem>>)
    %add3A_99 = arith.constant 4096 : i32
    %add3A_100 = arith.addi %mul3A_95, %add3A_99 : i32
    %dma_start3A_101 = tpu.memref_slice %arg2[%add3A_100] : memref<2097152xf32, #tpu.memory_space<hbm>> -> memref<4096xf32, #tpu.memory_space<hbm>>
    %dma_start3A_102 = tpu.memref_slice %arg2[%add3A_100] : memref<2097152xf32, #tpu.memory_space<hbm>> -> memref<4096xf32, #tpu.memory_space<hbm>>
    tpu.enqueue_dma source(%dma_start3A_102 : memref<4096xf32, #tpu.memory_space<hbm>>) target(%arg11 : memref<4096xf32, #tpu.memory_space<vmem>>) target_semaphore(%arg15 : memref<!tpu.dma_semaphore, #tpu.memory_space<semaphore_mem>>)
    %scan3A = arith.constant 0 : i32
    %scan3A_103 = arith.constant 0 : i32
    %scan3A_104 = arith.constant 8 : i32
    %scan3A_105 = arith.addi %scan3A_103, %scan3A_104 : i32
    %scan3A_106 = arith.constant 1 : i32
    scf.for %scan3A_119 = %scan3A_103 to %scan3A_105 step %scan3A_106  : i32 {
      %mul3A_120 = arith.constant 2 : i32
      %mul3A_121 = arith.muli %mul3A_120, %scan3A_119 : i32
      %add3A_122 = arith.constant 1 : i32
      %add3A_123 = arith.addi %mul3A_121, %add3A_122 : i32
      %mul3A_124 = arith.constant 4096 : i32
      %mul3A_125 = arith.muli %mul3A_121, %mul3A_124 : i32
      %add3A_126 = arith.addi %mul3A_95, %mul3A_125 : i32
      %dma_wait3A_127 = tpu.memref_slice %arg2[%add3A_126] : memref<2097152xf32, #tpu.memory_space<hbm>> -> memref<4096xf32, #tpu.memory_space<hbm>>
      %dma_wait3A_128 = tpu.memref_slice %arg2[%add3A_126] : memref<2097152xf32, #tpu.memory_space<hbm>> -> memref<4096xf32, #tpu.memory_space<hbm>>
      tpu.wait_dma2 semaphore(%arg14 : memref<!tpu.dma_semaphore, #tpu.memory_space<semaphore_mem>>) src(%dma_wait3A_128 : memref<4096xf32, #tpu.memory_space<hbm>>) dst(%arg10 : memref<4096xf32, #tpu.memory_space<vmem>>)
      %gt3A = arith.constant 0 : i32
      %gt3A_129 = arith.cmpi sgt, %scan3A_119, %gt3A : i32
      %convert_element_type3A = arith.extui %gt3A_129 : i1 to i32
      %cond3A = arith.constant 0 : i32
      %cond3A_130 = arith.cmpi ne, %convert_element_type3A, %cond3A : i32
      scf.if %cond3A_130 {
        %mul3A_170 = arith.constant 4096 : i32
        %mul3A_171 = arith.muli %mul3A_121, %mul3A_170 : i32
        %add3A_172 = arith.addi %mul3A_95, %mul3A_171 : i32
        %mul3A_173 = arith.constant 8 : i32
        %mul3A_174 = arith.muli %add3A_172, %mul3A_173 : i32
        %dma_wait3A_175 = tpu.memref_slice %arg4[%mul3A_174] : memref<16777216xf32, #tpu.memory_space<hbm>> -> memref<32768xf32, #tpu.memory_space<hbm>>
        %dma_wait3A_176 = tpu.memref_slice %arg4[%mul3A_174] : memref<16777216xf32, #tpu.memory_space<hbm>> -> memref<32768xf32, #tpu.memory_space<hbm>>
        tpu.wait_dma2 semaphore(%arg16 : memref<!tpu.dma_semaphore, #tpu.memory_space<semaphore_mem>>) src(%arg12 : memref<32768xf32, #tpu.memory_space<vmem>>) dst(%dma_wait3A_176 : memref<32768xf32, #tpu.memory_space<hbm>>)
      } else {
      }
      %parallel_loop3A = arith.constant 0 : i32
      %parallel_loop3A_131 = arith.constant 256 : i32
      %parallel_loop3A_132 = arith.constant 1 : i32
      scf.for %parallel_loop3A_170 = %parallel_loop3A to %parallel_loop3A_131 step %parallel_loop3A_132  : i32 {
        %parallel_loop3A_171 = arith.constant 16 : i32
        %parallel_loop3A_172 = arith.muli %parallel_loop3A_170, %parallel_loop3A_171 : i32
        %parallel_loop3A_173 = arith.index_cast %parallel_loop3A_172 : i32 to index
        %parallel_loop3A_174 = tpu.vector_load %arg10[%parallel_loop3A_173] {strides = array<i32>} : memref<4096xf32, #tpu.memory_space<vmem>>, vector<16xf32>,
        %parallel_loop3A_175 = arith.constant 4.000000e+00 : f32
        %parallel_loop3A_176 = vector.broadcast %parallel_loop3A_175 : f32 to vector<16xf32>
        %parallel_loop3A_177 = arith.mulf %parallel_loop3A_174, %parallel_loop3A_176 : vector<16xf32>
        %parallel_loop3A_178 = arith.fptosi %parallel_loop3A_177 : vector<16xf32> to vector<16xi32>
        %parallel_loop3A_179 = arith.constant 3 : i32
        %parallel_loop3A_180 = vector.broadcast %parallel_loop3A_179 : i32 to vector<16xi32>
        %parallel_loop3A_181 = arith.minsi %parallel_loop3A_178, %parallel_loop3A_180 : vector<16xi32>
        %parallel_loop3A_182 = arith.sitofp %parallel_loop3A_181 : vector<16xi32> to vector<16xf32>
        %parallel_loop3A_183 = arith.subf %parallel_loop3A_177, %parallel_loop3A_182 : vector<16xf32>
        %parallel_loop3A_184 = arith.mulf %parallel_loop3A_183, %parallel_loop3A_183 : vector<16xf32>
        %parallel_loop3A_185 = arith.mulf %parallel_loop3A_184, %parallel_loop3A_183 : vector<16xf32>
        %parallel_loop3A_186 = arith.constant 8 : i32
        %parallel_loop3A_187 = vector.broadcast %parallel_loop3A_186 : i32 to vector<16xi32>
        %parallel_loop3A_188 = arith.muli %parallel_loop3A_181, %parallel_loop3A_187 : vector<16xi32>
        %parallel_loop3A_189 = arith.constant 8 : i32
        %parallel_loop3A_190 = arith.divsi %parallel_loop3A_170, %parallel_loop3A_189 : i32
        %parallel_loop3A_191 = arith.constant 0 : i32
        %parallel_loop3A_192 = arith.cmpi sgt, %parallel_loop3A_170, %parallel_loop3A_191 : i32
        %parallel_loop3A_193 = arith.extui %parallel_loop3A_192 : i1 to i32
        %parallel_loop3A_194 = arith.constant 0 : i32
        %parallel_loop3A_195 = arith.cmpi slt, %parallel_loop3A_170, %parallel_loop3A_194 : i32
        %parallel_loop3A_196 = arith.extui %parallel_loop3A_195 : i1 to i32
        %parallel_loop3A_197 = arith.subi %parallel_loop3A_193, %parallel_loop3A_196 : i32
        %parallel_loop3A_198 = arith.constant 0 : i32
        %parallel_loop3A_199 = arith.cmpi sgt, %parallel_loop3A_189, %parallel_loop3A_198 : i32
        %parallel_loop3A_200 = arith.extui %parallel_loop3A_199 : i1 to i32
        %parallel_loop3A_201 = arith.constant 0 : i32
        %parallel_loop3A_202 = arith.cmpi slt, %parallel_loop3A_189, %parallel_loop3A_201 : i32
        %parallel_loop3A_203 = arith.extui %parallel_loop3A_202 : i1 to i32
        %parallel_loop3A_204 = arith.subi %parallel_loop3A_200, %parallel_loop3A_203 : i32
        %parallel_loop3A_205 = arith.cmpi ne, %parallel_loop3A_197, %parallel_loop3A_204 : i32
        %parallel_loop3A_206 = arith.remsi %parallel_loop3A_170, %parallel_loop3A_189 : i32
        %parallel_loop3A_207 = arith.constant 0 : i32
        %parallel_loop3A_208 = arith.cmpi ne, %parallel_loop3A_206, %parallel_loop3A_207 : i32
        %parallel_loop3A_209 = arith.andi %parallel_loop3A_205, %parallel_loop3A_208 : i1
        %parallel_loop3A_210 = arith.constant 1 : i32
        %parallel_loop3A_211 = arith.subi %parallel_loop3A_190, %parallel_loop3A_210 : i32
        %parallel_loop3A_212 = arith.select %parallel_loop3A_209, %parallel_loop3A_211, %parallel_loop3A_190 : i32
        %parallel_loop3A_213 = arith.constant 1024 : i32
        %parallel_loop3A_214 = arith.muli %parallel_loop3A_212, %parallel_loop3A_213 : i32
        %parallel_loop3A_215 = arith.constant 8 : i32
        %parallel_loop3A_216 = arith.constant 0 : i32
        %parallel_loop3A_217 = arith.cmpi eq, %parallel_loop3A_215, %parallel_loop3A_216 : i32
        %parallel_loop3A_218 = arith.constant 1 : i32
        %parallel_loop3A_219 = arith.select %parallel_loop3A_217, %parallel_loop3A_218, %parallel_loop3A_215 : i32
        %parallel_loop3A_220 = arith.remsi %parallel_loop3A_170, %parallel_loop3A_219 : i32
        %parallel_loop3A_221 = arith.constant 0 : i32
        %parallel_loop3A_222 = arith.cmpi ne, %parallel_loop3A_220, %parallel_loop3A_221 : i32
        %parallel_loop3A_223 = arith.constant 0 : i32
        %parallel_loop3A_224 = arith.cmpi slt, %parallel_loop3A_220, %parallel_loop3A_223 : i32
        %parallel_loop3A_225 = arith.constant 0 : i32
        %parallel_loop3A_226 = arith.cmpi slt, %parallel_loop3A_219, %parallel_loop3A_225 : i32
        %parallel_loop3A_227 = arith.xori %parallel_loop3A_224, %parallel_loop3A_226 : i1
        %parallel_loop3A_228 = arith.andi %parallel_loop3A_227, %parallel_loop3A_222 : i1
        %parallel_loop3A_229 = arith.addi %parallel_loop3A_220, %parallel_loop3A_219 : i32
        %parallel_loop3A_230 = arith.select %parallel_loop3A_228, %parallel_loop3A_229, %parallel_loop3A_220 : i32
        %parallel_loop3A_231 = arith.constant 16 : i32
        %parallel_loop3A_232 = arith.muli %parallel_loop3A_230, %parallel_loop3A_231 : i32
        %parallel_loop3A_233 = arith.addi %parallel_loop3A_214, %parallel_loop3A_232 : i32
        %parallel_loop3A_234 = arith.constant 0 : i32
        %parallel_loop3A_235 = vector.broadcast %parallel_loop3A_234 : i32 to vector<16xi32>
        %parallel_loop3A_236 = arith.addi %parallel_loop3A_188, %parallel_loop3A_235 : vector<16xi32>
        %parallel_loop3A_237 = tpu.vector_load_idx %arg6[%parallel_loop3A_236] : memref<32xf32, #tpu.memory_space<vmem>>[vector<16xi32>], vector<16xf32>,
        %parallel_loop3A_238 = tpu.vector_load_idx %arg7[%parallel_loop3A_236] : memref<32xf32, #tpu.memory_space<vmem>>[vector<16xi32>], vector<16xf32>,
        %parallel_loop3A_239 = tpu.vector_load_idx %arg8[%parallel_loop3A_236] : memref<32xf32, #tpu.memory_space<vmem>>[vector<16xi32>], vector<16xf32>,
        %parallel_loop3A_240 = tpu.vector_load_idx %arg9[%parallel_loop3A_236] : memref<32xf32, #tpu.memory_space<vmem>>[vector<16xi32>], vector<16xf32>,
        %parallel_loop3A_241 = arith.mulf %parallel_loop3A_238, %parallel_loop3A_183 : vector<16xf32>
        %parallel_loop3A_242 = arith.addf %parallel_loop3A_237, %parallel_loop3A_241 : vector<16xf32>
        %parallel_loop3A_243 = arith.mulf %parallel_loop3A_239, %parallel_loop3A_184 : vector<16xf32>
        %parallel_loop3A_244 = arith.addf %parallel_loop3A_242, %parallel_loop3A_243 : vector<16xf32>
        %parallel_loop3A_245 = arith.mulf %parallel_loop3A_240, %parallel_loop3A_185 : vector<16xf32>
        %parallel_loop3A_246 = arith.addf %parallel_loop3A_244, %parallel_loop3A_245 : vector<16xf32>
        %parallel_loop3A_247 = arith.constant 0 : i32
        %parallel_loop3A_248 = arith.addi %parallel_loop3A_233, %parallel_loop3A_247 : i32
        %parallel_loop3A_249 = arith.index_cast %parallel_loop3A_248 : i32 to index
        %parallel_loop3A_250 = tpu.vector_load %arg12[%parallel_loop3A_249] {strides = array<i32>} : memref<32768xf32, #tpu.memory_space<vmem>>, vector<16xf32>,
        tpu.vector_store %arg12[%parallel_loop3A_249], %parallel_loop3A_246 {strides = array<i32>} : memref<32768xf32, #tpu.memory_space<vmem>>, vector<16xf32>,
        %parallel_loop3A_251 = arith.constant 1 : i32
        %parallel_loop3A_252 = vector.broadcast %parallel_loop3A_251 : i32 to vector<16xi32>
        %parallel_loop3A_253 = arith.addi %parallel_loop3A_188, %parallel_loop3A_252 : vector<16xi32>
        %parallel_loop3A_254 = tpu.vector_load_idx %arg6[%parallel_loop3A_253] : memref<32xf32, #tpu.memory_space<vmem>>[vector<16xi32>], vector<16xf32>,
        %parallel_loop3A_255 = tpu.vector_load_idx %arg7[%parallel_loop3A_253] : memref<32xf32, #tpu.memory_space<vmem>>[vector<16xi32>], vector<16xf32>,
        %parallel_loop3A_256 = tpu.vector_load_idx %arg8[%parallel_loop3A_253] : memref<32xf32, #tpu.memory_space<vmem>>[vector<16xi32>], vector<16xf32>,
        %parallel_loop3A_257 = tpu.vector_load_idx %arg9[%parallel_loop3A_253] : memref<32xf32, #tpu.memory_space<vmem>>[vector<16xi32>], vector<16xf32>,
        %parallel_loop3A_258 = arith.mulf %parallel_loop3A_255, %parallel_loop3A_183 : vector<16xf32>
        %parallel_loop3A_259 = arith.addf %parallel_loop3A_254, %parallel_loop3A_258 : vector<16xf32>
        %parallel_loop3A_260 = arith.mulf %parallel_loop3A_256, %parallel_loop3A_184 : vector<16xf32>
        %parallel_loop3A_261 = arith.addf %parallel_loop3A_259, %parallel_loop3A_260 : vector<16xf32>
        %parallel_loop3A_262 = arith.mulf %parallel_loop3A_257, %parallel_loop3A_185 : vector<16xf32>
        %parallel_loop3A_263 = arith.addf %parallel_loop3A_261, %parallel_loop3A_262 : vector<16xf32>
        %parallel_loop3A_264 = arith.constant 128 : i32
        %parallel_loop3A_265 = arith.addi %parallel_loop3A_233, %parallel_loop3A_264 : i32
        %parallel_loop3A_266 = arith.index_cast %parallel_loop3A_265 : i32 to index
        %parallel_loop3A_267 = tpu.vector_load %arg12[%parallel_loop3A_266] {strides = array<i32>} : memref<32768xf32, #tpu.memory_space<vmem>>, vector<16xf32>,
        tpu.vector_store %arg12[%parallel_loop3A_266], %parallel_loop3A_263 {strides = array<i32>} : memref<32768xf32, #tpu.memory_space<vmem>>, vector<16xf32>,
        %parallel_loop3A_268 = arith.constant 2 : i32
        %parallel_loop3A_269 = vector.broadcast %parallel_loop3A_268 : i32 to vector<16xi32>
        %parallel_loop3A_270 = arith.addi %parallel_loop3A_188, %parallel_loop3A_269 : vector<16xi32>
        %parallel_loop3A_271 = tpu.vector_load_idx %arg6[%parallel_loop3A_270] : memref<32xf32, #tpu.memory_space<vmem>>[vector<16xi32>], vector<16xf32>,
        %parallel_loop3A_272 = tpu.vector_load_idx %arg7[%parallel_loop3A_270] : memref<32xf32, #tpu.memory_space<vmem>>[vector<16xi32>], vector<16xf32>,
        %parallel_loop3A_273 = tpu.vector_load_idx %arg8[%parallel_loop3A_270] : memref<32xf32, #tpu.memory_space<vmem>>[vector<16xi32>], vector<16xf32>,
        %parallel_loop3A_274 = tpu.vector_load_idx %arg9[%parallel_loop3A_270] : memref<32xf32, #tpu.memory_space<vmem>>[vector<16xi32>], vector<16xf32>,
        %parallel_loop3A_275 = arith.mulf %parallel_loop3A_272, %parallel_loop3A_183 : vector<16xf32>
        %parallel_loop3A_276 = arith.addf %parallel_loop3A_271, %parallel_loop3A_275 : vector<16xf32>
        %parallel_loop3A_277 = arith.mulf %parallel_loop3A_273, %parallel_loop3A_184 : vector<16xf32>
        %parallel_loop3A_278 = arith.addf %parallel_loop3A_276, %parallel_loop3A_277 : vector<16xf32>
        %parallel_loop3A_279 = arith.mulf %parallel_loop3A_274, %parallel_loop3A_185 : vector<16xf32>
        %parallel_loop3A_280 = arith.addf %parallel_loop3A_278, %parallel_loop3A_279 : vector<16xf32>
        %parallel_loop3A_281 = arith.constant 256 : i32
        %parallel_loop3A_282 = arith.addi %parallel_loop3A_233, %parallel_loop3A_281 : i32
        %parallel_loop3A_283 = arith.index_cast %parallel_loop3A_282 : i32 to index
        %parallel_loop3A_284 = tpu.vector_load %arg12[%parallel_loop3A_283] {strides = array<i32>} : memref<32768xf32, #tpu.memory_space<vmem>>, vector<16xf32>,
        tpu.vector_store %arg12[%parallel_loop3A_283], %parallel_loop3A_280 {strides = array<i32>} : memref<32768xf32, #tpu.memory_space<vmem>>, vector<16xf32>,
        %parallel_loop3A_285 = arith.constant 3 : i32
        %parallel_loop3A_286 = vector.broadcast %parallel_loop3A_285 : i32 to vector<16xi32>
        %parallel_loop3A_287 = arith.addi %parallel_loop3A_188, %parallel_loop3A_286 : vector<16xi32>
        %parallel_loop3A_288 = tpu.vector_load_idx %arg6[%parallel_loop3A_287] : memref<32xf32, #tpu.memory_space<vmem>>[vector<16xi32>], vector<16xf32>,
        %parallel_loop3A_289 = tpu.vector_load_idx %arg7[%parallel_loop3A_287] : memref<32xf32, #tpu.memory_space<vmem>>[vector<16xi32>], vector<16xf32>,
        %parallel_loop3A_290 = tpu.vector_load_idx %arg8[%parallel_loop3A_287] : memref<32xf32, #tpu.memory_space<vmem>>[vector<16xi32>], vector<16xf32>,
        %parallel_loop3A_291 = tpu.vector_load_idx %arg9[%parallel_loop3A_287] : memref<32xf32, #tpu.memory_space<vmem>>[vector<16xi32>], vector<16xf32>,
        %parallel_loop3A_292 = arith.mulf %parallel_loop3A_289, %parallel_loop3A_183 : vector<16xf32>
        %parallel_loop3A_293 = arith.addf %parallel_loop3A_288, %parallel_loop3A_292 : vector<16xf32>
        %parallel_loop3A_294 = arith.mulf %parallel_loop3A_290, %parallel_loop3A_184 : vector<16xf32>
        %parallel_loop3A_295 = arith.addf %parallel_loop3A_293, %parallel_loop3A_294 : vector<16xf32>
        %parallel_loop3A_296 = arith.mulf %parallel_loop3A_291, %parallel_loop3A_185 : vector<16xf32>
        %parallel_loop3A_297 = arith.addf %parallel_loop3A_295, %parallel_loop3A_296 : vector<16xf32>
        %parallel_loop3A_298 = arith.constant 384 : i32
        %parallel_loop3A_299 = arith.addi %parallel_loop3A_233, %parallel_loop3A_298 : i32
        %parallel_loop3A_300 = arith.index_cast %parallel_loop3A_299 : i32 to index
        %parallel_loop3A_301 = tpu.vector_load %arg12[%parallel_loop3A_300] {strides = array<i32>} : memref<32768xf32, #tpu.memory_space<vmem>>, vector<16xf32>,
        tpu.vector_store %arg12[%parallel_loop3A_300], %parallel_loop3A_297 {strides = array<i32>} : memref<32768xf32, #tpu.memory_space<vmem>>, vector<16xf32>,
        %parallel_loop3A_302 = arith.constant 4 : i32
        %parallel_loop3A_303 = vector.broadcast %parallel_loop3A_302 : i32 to vector<16xi32>
        %parallel_loop3A_304 = arith.addi %parallel_loop3A_188, %parallel_loop3A_303 : vector<16xi32>
        %parallel_loop3A_305 = tpu.vector_load_idx %arg6[%parallel_loop3A_304] : memref<32xf32, #tpu.memory_space<vmem>>[vector<16xi32>], vector<16xf32>,
        %parallel_loop3A_306 = tpu.vector_load_idx %arg7[%parallel_loop3A_304] : memref<32xf32, #tpu.memory_space<vmem>>[vector<16xi32>], vector<16xf32>,
        %parallel_loop3A_307 = tpu.vector_load_idx %arg8[%parallel_loop3A_304] : memref<32xf32, #tpu.memory_space<vmem>>[vector<16xi32>], vector<16xf32>,
        %parallel_loop3A_308 = tpu.vector_load_idx %arg9[%parallel_loop3A_304] : memref<32xf32, #tpu.memory_space<vmem>>[vector<16xi32>], vector<16xf32>,
        %parallel_loop3A_309 = arith.mulf %parallel_loop3A_306, %parallel_loop3A_183 : vector<16xf32>
        %parallel_loop3A_310 = arith.addf %parallel_loop3A_305, %parallel_loop3A_309 : vector<16xf32>
        %parallel_loop3A_311 = arith.mulf %parallel_loop3A_307, %parallel_loop3A_184 : vector<16xf32>
        %parallel_loop3A_312 = arith.addf %parallel_loop3A_310, %parallel_loop3A_311 : vector<16xf32>
        %parallel_loop3A_313 = arith.mulf %parallel_loop3A_308, %parallel_loop3A_185 : vector<16xf32>
        %parallel_loop3A_314 = arith.addf %parallel_loop3A_312, %parallel_loop3A_313 : vector<16xf32>
        %parallel_loop3A_315 = arith.constant 512 : i32
        %parallel_loop3A_316 = arith.addi %parallel_loop3A_233, %parallel_loop3A_315 : i32
        %parallel_loop3A_317 = arith.index_cast %parallel_loop3A_316 : i32 to index
        %parallel_loop3A_318 = tpu.vector_load %arg12[%parallel_loop3A_317] {strides = array<i32>} : memref<32768xf32, #tpu.memory_space<vmem>>, vector<16xf32>,
        tpu.vector_store %arg12[%parallel_loop3A_317], %parallel_loop3A_314 {strides = array<i32>} : memref<32768xf32, #tpu.memory_space<vmem>>, vector<16xf32>,
        %parallel_loop3A_319 = arith.constant 5 : i32
        %parallel_loop3A_320 = vector.broadcast %parallel_loop3A_319 : i32 to vector<16xi32>
        %parallel_loop3A_321 = arith.addi %parallel_loop3A_188, %parallel_loop3A_320 : vector<16xi32>
        %parallel_loop3A_322 = tpu.vector_load_idx %arg6[%parallel_loop3A_321] : memref<32xf32, #tpu.memory_space<vmem>>[vector<16xi32>], vector<16xf32>,
        %parallel_loop3A_323 = tpu.vector_load_idx %arg7[%parallel_loop3A_321] : memref<32xf32, #tpu.memory_space<vmem>>[vector<16xi32>], vector<16xf32>,
        %parallel_loop3A_324 = tpu.vector_load_idx %arg8[%parallel_loop3A_321] : memref<32xf32, #tpu.memory_space<vmem>>[vector<16xi32>], vector<16xf32>,
        %parallel_loop3A_325 = tpu.vector_load_idx %arg9[%parallel_loop3A_321] : memref<32xf32, #tpu.memory_space<vmem>>[vector<16xi32>], vector<16xf32>,
        %parallel_loop3A_326 = arith.mulf %parallel_loop3A_323, %parallel_loop3A_183 : vector<16xf32>
        %parallel_loop3A_327 = arith.addf %parallel_loop3A_322, %parallel_loop3A_326 : vector<16xf32>
        %parallel_loop3A_328 = arith.mulf %parallel_loop3A_324, %parallel_loop3A_184 : vector<16xf32>
        %parallel_loop3A_329 = arith.addf %parallel_loop3A_327, %parallel_loop3A_328 : vector<16xf32>
        %parallel_loop3A_330 = arith.mulf %parallel_loop3A_325, %parallel_loop3A_185 : vector<16xf32>
        %parallel_loop3A_331 = arith.addf %parallel_loop3A_329, %parallel_loop3A_330 : vector<16xf32>
        %parallel_loop3A_332 = arith.constant 640 : i32
        %parallel_loop3A_333 = arith.addi %parallel_loop3A_233, %parallel_loop3A_332 : i32
        %parallel_loop3A_334 = arith.index_cast %parallel_loop3A_333 : i32 to index
        %parallel_loop3A_335 = tpu.vector_load %arg12[%parallel_loop3A_334] {strides = array<i32>} : memref<32768xf32, #tpu.memory_space<vmem>>, vector<16xf32>,
        tpu.vector_store %arg12[%parallel_loop3A_334], %parallel_loop3A_331 {strides = array<i32>} : memref<32768xf32, #tpu.memory_space<vmem>>, vector<16xf32>,
        %parallel_loop3A_336 = arith.constant 6 : i32
        %parallel_loop3A_337 = vector.broadcast %parallel_loop3A_336 : i32 to vector<16xi32>
        %parallel_loop3A_338 = arith.addi %parallel_loop3A_188, %parallel_loop3A_337 : vector<16xi32>
        %parallel_loop3A_339 = tpu.vector_load_idx %arg6[%parallel_loop3A_338] : memref<32xf32, #tpu.memory_space<vmem>>[vector<16xi32>], vector<16xf32>,
        %parallel_loop3A_340 = tpu.vector_load_idx %arg7[%parallel_loop3A_338] : memref<32xf32, #tpu.memory_space<vmem>>[vector<16xi32>], vector<16xf32>,
        %parallel_loop3A_341 = tpu.vector_load_idx %arg8[%parallel_loop3A_338] : memref<32xf32, #tpu.memory_space<vmem>>[vector<16xi32>], vector<16xf32>,
        %parallel_loop3A_342 = tpu.vector_load_idx %arg9[%parallel_loop3A_338] : memref<32xf32, #tpu.memory_space<vmem>>[vector<16xi32>], vector<16xf32>,
        %parallel_loop3A_343 = arith.mulf %parallel_loop3A_340, %parallel_loop3A_183 : vector<16xf32>
        %parallel_loop3A_344 = arith.addf %parallel_loop3A_339, %parallel_loop3A_343 : vector<16xf32>
        %parallel_loop3A_345 = arith.mulf %parallel_loop3A_341, %parallel_loop3A_184 : vector<16xf32>
        %parallel_loop3A_346 = arith.addf %parallel_loop3A_344, %parallel_loop3A_345 : vector<16xf32>
        %parallel_loop3A_347 = arith.mulf %parallel_loop3A_342, %parallel_loop3A_185 : vector<16xf32>
        %parallel_loop3A_348 = arith.addf %parallel_loop3A_346, %parallel_loop3A_347 : vector<16xf32>
        %parallel_loop3A_349 = arith.constant 768 : i32
        %parallel_loop3A_350 = arith.addi %parallel_loop3A_233, %parallel_loop3A_349 : i32
        %parallel_loop3A_351 = arith.index_cast %parallel_loop3A_350 : i32 to index
        %parallel_loop3A_352 = tpu.vector_load %arg12[%parallel_loop3A_351] {strides = array<i32>} : memref<32768xf32, #tpu.memory_space<vmem>>, vector<16xf32>,
        tpu.vector_store %arg12[%parallel_loop3A_351], %parallel_loop3A_348 {strides = array<i32>} : memref<32768xf32, #tpu.memory_space<vmem>>, vector<16xf32>,
        %parallel_loop3A_353 = arith.constant 7 : i32
        %parallel_loop3A_354 = vector.broadcast %parallel_loop3A_353 : i32 to vector<16xi32>
        %parallel_loop3A_355 = arith.addi %parallel_loop3A_188, %parallel_loop3A_354 : vector<16xi32>
        %parallel_loop3A_356 = tpu.vector_load_idx %arg6[%parallel_loop3A_355] : memref<32xf32, #tpu.memory_space<vmem>>[vector<16xi32>], vector<16xf32>,
        %parallel_loop3A_357 = tpu.vector_load_idx %arg7[%parallel_loop3A_355] : memref<32xf32, #tpu.memory_space<vmem>>[vector<16xi32>], vector<16xf32>,
        %parallel_loop3A_358 = tpu.vector_load_idx %arg8[%parallel_loop3A_355] : memref<32xf32, #tpu.memory_space<vmem>>[vector<16xi32>], vector<16xf32>,
        %parallel_loop3A_359 = tpu.vector_load_idx %arg9[%parallel_loop3A_355] : memref<32xf32, #tpu.memory_space<vmem>>[vector<16xi32>], vector<16xf32>,
        %parallel_loop3A_360 = arith.mulf %parallel_loop3A_357, %parallel_loop3A_183 : vector<16xf32>
        %parallel_loop3A_361 = arith.addf %parallel_loop3A_356, %parallel_loop3A_360 : vector<16xf32>
        %parallel_loop3A_362 = arith.mulf %parallel_loop3A_358, %parallel_loop3A_184 : vector<16xf32>
        %parallel_loop3A_363 = arith.addf %parallel_loop3A_361, %parallel_loop3A_362 : vector<16xf32>
        %parallel_loop3A_364 = arith.mulf %parallel_loop3A_359, %parallel_loop3A_185 : vector<16xf32>
        %parallel_loop3A_365 = arith.addf %parallel_loop3A_363, %parallel_loop3A_364 : vector<16xf32>
        %parallel_loop3A_366 = arith.constant 896 : i32
        %parallel_loop3A_367 = arith.addi %parallel_loop3A_233, %parallel_loop3A_366 : i32
        %parallel_loop3A_368 = arith.index_cast %parallel_loop3A_367 : i32 to index
        %parallel_loop3A_369 = tpu.vector_load %arg12[%parallel_loop3A_368] {strides = array<i32>} : memref<32768xf32, #tpu.memory_space<vmem>>, vector<16xf32>,
        tpu.vector_store %arg12[%parallel_loop3A_368], %parallel_loop3A_365 {strides = array<i32>} : memref<32768xf32, #tpu.memory_space<vmem>>, vector<16xf32>,
      } {sc.loop_unroll_factor = 2 : i64, sc.parallel_access}
      %mul3A_133 = arith.constant 4096 : i32
      %mul3A_134 = arith.muli %mul3A_121, %mul3A_133 : i32
      %add3A_135 = arith.addi %mul3A_95, %mul3A_134 : i32
      %mul3A_136 = arith.constant 8 : i32
      %mul3A_137 = arith.muli %add3A_135, %mul3A_136 : i32
      %dma_start3A_138 = tpu.memref_slice %arg4[%mul3A_137] : memref<16777216xf32, #tpu.memory_space<hbm>> -> memref<32768xf32, #tpu.memory_space<hbm>>
      %dma_start3A_139 = tpu.memref_slice %arg4[%mul3A_137] : memref<16777216xf32, #tpu.memory_space<hbm>> -> memref<32768xf32, #tpu.memory_space<hbm>>
      tpu.enqueue_dma source(%arg12 : memref<32768xf32, #tpu.memory_space<vmem>>) target(%dma_start3A_139 : memref<32768xf32, #tpu.memory_space<hbm>>) target_semaphore(%arg16 : memref<!tpu.dma_semaphore, #tpu.memory_space<semaphore_mem>>)
      %lt3A_140 = arith.constant 7 : i32
      %lt3A_141 = arith.cmpi slt, %scan3A_119, %lt3A_140 : i32
      %convert_element_type3A_142 = arith.extui %lt3A_141 : i1 to i32
      %cond3A_143 = arith.constant 0 : i32
      %cond3A_144 = arith.cmpi ne, %convert_element_type3A_142, %cond3A_143 : i32
      scf.if %cond3A_144 {
        %add3A_170 = arith.constant 2 : i32
        %add3A_171 = arith.addi %mul3A_121, %add3A_170 : i32
        %mul3A_172 = arith.constant 4096 : i32
        %mul3A_173 = arith.muli %add3A_171, %mul3A_172 : i32
        %add3A_174 = arith.addi %mul3A_95, %mul3A_173 : i32
        %dma_start3A_175 = tpu.memref_slice %arg2[%add3A_174] : memref<2097152xf32, #tpu.memory_space<hbm>> -> memref<4096xf32, #tpu.memory_space<hbm>>
        %dma_start3A_176 = tpu.memref_slice %arg2[%add3A_174] : memref<2097152xf32, #tpu.memory_space<hbm>> -> memref<4096xf32, #tpu.memory_space<hbm>>
        tpu.enqueue_dma source(%dma_start3A_176 : memref<4096xf32, #tpu.memory_space<hbm>>) target(%arg10 : memref<4096xf32, #tpu.memory_space<vmem>>) target_semaphore(%arg14 : memref<!tpu.dma_semaphore, #tpu.memory_space<semaphore_mem>>)
      } else {
      }
      %mul3A_145 = arith.constant 4096 : i32
      %mul3A_146 = arith.muli %add3A_123, %mul3A_145 : i32
      %add3A_147 = arith.addi %mul3A_95, %mul3A_146 : i32
      %dma_wait3A_148 = tpu.memref_slice %arg2[%add3A_147] : memref<2097152xf32, #tpu.memory_space<hbm>> -> memref<4096xf32, #tpu.memory_space<hbm>>
      %dma_wait3A_149 = tpu.memref_slice %arg2[%add3A_147] : memref<2097152xf32, #tpu.memory_space<hbm>> -> memref<4096xf32, #tpu.memory_space<hbm>>
      tpu.wait_dma2 semaphore(%arg15 : memref<!tpu.dma_semaphore, #tpu.memory_space<semaphore_mem>>) src(%dma_wait3A_149 : memref<4096xf32, #tpu.memory_space<hbm>>) dst(%arg11 : memref<4096xf32, #tpu.memory_space<vmem>>)
      %gt3A_150 = arith.constant 0 : i32
      %gt3A_151 = arith.cmpi sgt, %scan3A_119, %gt3A_150 : i32
      %convert_element_type3A_152 = arith.extui %gt3A_151 : i1 to i32
      %cond3A_153 = arith.constant 0 : i32
      %cond3A_154 = arith.cmpi ne, %convert_element_type3A_152, %cond3A_153 : i32
      scf.if %cond3A_154 {
        %mul3A_170 = arith.constant 4096 : i32
        %mul3A_171 = arith.muli %add3A_123, %mul3A_170 : i32
        %add3A_172 = arith.addi %mul3A_95, %mul3A_171 : i32
        %mul3A_173 = arith.constant 8 : i32
        %mul3A_174 = arith.muli %add3A_172, %mul3A_173 : i32
        %dma_wait3A_175 = tpu.memref_slice %arg4[%mul3A_174] : memref<16777216xf32, #tpu.memory_space<hbm>> -> memref<32768xf32, #tpu.memory_space<hbm>>
        %dma_wait3A_176 = tpu.memref_slice %arg4[%mul3A_174] : memref<16777216xf32, #tpu.memory_space<hbm>> -> memref<32768xf32, #tpu.memory_space<hbm>>
        tpu.wait_dma2 semaphore(%arg17 : memref<!tpu.dma_semaphore, #tpu.memory_space<semaphore_mem>>) src(%arg13 : memref<32768xf32, #tpu.memory_space<vmem>>) dst(%dma_wait3A_176 : memref<32768xf32, #tpu.memory_space<hbm>>)
      } else {
      }
      %parallel_loop3A_155 = arith.constant 0 : i32
      %parallel_loop3A_156 = arith.constant 256 : i32
      %parallel_loop3A_157 = arith.constant 1 : i32
      scf.for %parallel_loop3A_170 = %parallel_loop3A_155 to %parallel_loop3A_156 step %parallel_loop3A_157  : i32 {
        %parallel_loop3A_171 = arith.constant 16 : i32
        %parallel_loop3A_172 = arith.muli %parallel_loop3A_170, %parallel_loop3A_171 : i32
        %parallel_loop3A_173 = arith.index_cast %parallel_loop3A_172 : i32 to index
        %parallel_loop3A_174 = tpu.vector_load %arg11[%parallel_loop3A_173] {strides = array<i32>} : memref<4096xf32, #tpu.memory_space<vmem>>, vector<16xf32>,
        %parallel_loop3A_175 = arith.constant 4.000000e+00 : f32
        %parallel_loop3A_176 = vector.broadcast %parallel_loop3A_175 : f32 to vector<16xf32>
        %parallel_loop3A_177 = arith.mulf %parallel_loop3A_174, %parallel_loop3A_176 : vector<16xf32>
        %parallel_loop3A_178 = arith.fptosi %parallel_loop3A_177 : vector<16xf32> to vector<16xi32>
        %parallel_loop3A_179 = arith.constant 3 : i32
        %parallel_loop3A_180 = vector.broadcast %parallel_loop3A_179 : i32 to vector<16xi32>
        %parallel_loop3A_181 = arith.minsi %parallel_loop3A_178, %parallel_loop3A_180 : vector<16xi32>
        %parallel_loop3A_182 = arith.sitofp %parallel_loop3A_181 : vector<16xi32> to vector<16xf32>
        %parallel_loop3A_183 = arith.subf %parallel_loop3A_177, %parallel_loop3A_182 : vector<16xf32>
        %parallel_loop3A_184 = arith.mulf %parallel_loop3A_183, %parallel_loop3A_183 : vector<16xf32>
        %parallel_loop3A_185 = arith.mulf %parallel_loop3A_184, %parallel_loop3A_183 : vector<16xf32>
        %parallel_loop3A_186 = arith.constant 8 : i32
        %parallel_loop3A_187 = vector.broadcast %parallel_loop3A_186 : i32 to vector<16xi32>
        %parallel_loop3A_188 = arith.muli %parallel_loop3A_181, %parallel_loop3A_187 : vector<16xi32>
        %parallel_loop3A_189 = arith.constant 8 : i32
        %parallel_loop3A_190 = arith.divsi %parallel_loop3A_170, %parallel_loop3A_189 : i32
        %parallel_loop3A_191 = arith.constant 0 : i32
        %parallel_loop3A_192 = arith.cmpi sgt, %parallel_loop3A_170, %parallel_loop3A_191 : i32
        %parallel_loop3A_193 = arith.extui %parallel_loop3A_192 : i1 to i32
        %parallel_loop3A_194 = arith.constant 0 : i32
        %parallel_loop3A_195 = arith.cmpi slt, %parallel_loop3A_170, %parallel_loop3A_194 : i32
        %parallel_loop3A_196 = arith.extui %parallel_loop3A_195 : i1 to i32
        %parallel_loop3A_197 = arith.subi %parallel_loop3A_193, %parallel_loop3A_196 : i32
        %parallel_loop3A_198 = arith.constant 0 : i32
        %parallel_loop3A_199 = arith.cmpi sgt, %parallel_loop3A_189, %parallel_loop3A_198 : i32
        %parallel_loop3A_200 = arith.extui %parallel_loop3A_199 : i1 to i32
        %parallel_loop3A_201 = arith.constant 0 : i32
        %parallel_loop3A_202 = arith.cmpi slt, %parallel_loop3A_189, %parallel_loop3A_201 : i32
        %parallel_loop3A_203 = arith.extui %parallel_loop3A_202 : i1 to i32
        %parallel_loop3A_204 = arith.subi %parallel_loop3A_200, %parallel_loop3A_203 : i32
        %parallel_loop3A_205 = arith.cmpi ne, %parallel_loop3A_197, %parallel_loop3A_204 : i32
        %parallel_loop3A_206 = arith.remsi %parallel_loop3A_170, %parallel_loop3A_189 : i32
        %parallel_loop3A_207 = arith.constant 0 : i32
        %parallel_loop3A_208 = arith.cmpi ne, %parallel_loop3A_206, %parallel_loop3A_207 : i32
        %parallel_loop3A_209 = arith.andi %parallel_loop3A_205, %parallel_loop3A_208 : i1
        %parallel_loop3A_210 = arith.constant 1 : i32
        %parallel_loop3A_211 = arith.subi %parallel_loop3A_190, %parallel_loop3A_210 : i32
        %parallel_loop3A_212 = arith.select %parallel_loop3A_209, %parallel_loop3A_211, %parallel_loop3A_190 : i32
        %parallel_loop3A_213 = arith.constant 1024 : i32
        %parallel_loop3A_214 = arith.muli %parallel_loop3A_212, %parallel_loop3A_213 : i32
        %parallel_loop3A_215 = arith.constant 8 : i32
        %parallel_loop3A_216 = arith.constant 0 : i32
        %parallel_loop3A_217 = arith.cmpi eq, %parallel_loop3A_215, %parallel_loop3A_216 : i32
        %parallel_loop3A_218 = arith.constant 1 : i32
        %parallel_loop3A_219 = arith.select %parallel_loop3A_217, %parallel_loop3A_218, %parallel_loop3A_215 : i32
        %parallel_loop3A_220 = arith.remsi %parallel_loop3A_170, %parallel_loop3A_219 : i32
        %parallel_loop3A_221 = arith.constant 0 : i32
        %parallel_loop3A_222 = arith.cmpi ne, %parallel_loop3A_220, %parallel_loop3A_221 : i32
        %parallel_loop3A_223 = arith.constant 0 : i32
        %parallel_loop3A_224 = arith.cmpi slt, %parallel_loop3A_220, %parallel_loop3A_223 : i32
        %parallel_loop3A_225 = arith.constant 0 : i32
        %parallel_loop3A_226 = arith.cmpi slt, %parallel_loop3A_219, %parallel_loop3A_225 : i32
        %parallel_loop3A_227 = arith.xori %parallel_loop3A_224, %parallel_loop3A_226 : i1
        %parallel_loop3A_228 = arith.andi %parallel_loop3A_227, %parallel_loop3A_222 : i1
        %parallel_loop3A_229 = arith.addi %parallel_loop3A_220, %parallel_loop3A_219 : i32
        %parallel_loop3A_230 = arith.select %parallel_loop3A_228, %parallel_loop3A_229, %parallel_loop3A_220 : i32
        %parallel_loop3A_231 = arith.constant 16 : i32
        %parallel_loop3A_232 = arith.muli %parallel_loop3A_230, %parallel_loop3A_231 : i32
        %parallel_loop3A_233 = arith.addi %parallel_loop3A_214, %parallel_loop3A_232 : i32
        %parallel_loop3A_234 = arith.constant 0 : i32
        %parallel_loop3A_235 = vector.broadcast %parallel_loop3A_234 : i32 to vector<16xi32>
        %parallel_loop3A_236 = arith.addi %parallel_loop3A_188, %parallel_loop3A_235 : vector<16xi32>
        %parallel_loop3A_237 = tpu.vector_load_idx %arg6[%parallel_loop3A_236] : memref<32xf32, #tpu.memory_space<vmem>>[vector<16xi32>], vector<16xf32>,
        %parallel_loop3A_238 = tpu.vector_load_idx %arg7[%parallel_loop3A_236] : memref<32xf32, #tpu.memory_space<vmem>>[vector<16xi32>], vector<16xf32>,
        %parallel_loop3A_239 = tpu.vector_load_idx %arg8[%parallel_loop3A_236] : memref<32xf32, #tpu.memory_space<vmem>>[vector<16xi32>], vector<16xf32>,
        %parallel_loop3A_240 = tpu.vector_load_idx %arg9[%parallel_loop3A_236] : memref<32xf32, #tpu.memory_space<vmem>>[vector<16xi32>], vector<16xf32>,
        %parallel_loop3A_241 = arith.mulf %parallel_loop3A_238, %parallel_loop3A_183 : vector<16xf32>
        %parallel_loop3A_242 = arith.addf %parallel_loop3A_237, %parallel_loop3A_241 : vector<16xf32>
        %parallel_loop3A_243 = arith.mulf %parallel_loop3A_239, %parallel_loop3A_184 : vector<16xf32>
        %parallel_loop3A_244 = arith.addf %parallel_loop3A_242, %parallel_loop3A_243 : vector<16xf32>
        %parallel_loop3A_245 = arith.mulf %parallel_loop3A_240, %parallel_loop3A_185 : vector<16xf32>
        %parallel_loop3A_246 = arith.addf %parallel_loop3A_244, %parallel_loop3A_245 : vector<16xf32>
        %parallel_loop3A_247 = arith.constant 0 : i32
        %parallel_loop3A_248 = arith.addi %parallel_loop3A_233, %parallel_loop3A_247 : i32
        %parallel_loop3A_249 = arith.index_cast %parallel_loop3A_248 : i32 to index
        %parallel_loop3A_250 = tpu.vector_load %arg13[%parallel_loop3A_249] {strides = array<i32>} : memref<32768xf32, #tpu.memory_space<vmem>>, vector<16xf32>,
        tpu.vector_store %arg13[%parallel_loop3A_249], %parallel_loop3A_246 {strides = array<i32>} : memref<32768xf32, #tpu.memory_space<vmem>>, vector<16xf32>,
        %parallel_loop3A_251 = arith.constant 1 : i32
        %parallel_loop3A_252 = vector.broadcast %parallel_loop3A_251 : i32 to vector<16xi32>
        %parallel_loop3A_253 = arith.addi %parallel_loop3A_188, %parallel_loop3A_252 : vector<16xi32>
        %parallel_loop3A_254 = tpu.vector_load_idx %arg6[%parallel_loop3A_253] : memref<32xf32, #tpu.memory_space<vmem>>[vector<16xi32>], vector<16xf32>,
        %parallel_loop3A_255 = tpu.vector_load_idx %arg7[%parallel_loop3A_253] : memref<32xf32, #tpu.memory_space<vmem>>[vector<16xi32>], vector<16xf32>,
        %parallel_loop3A_256 = tpu.vector_load_idx %arg8[%parallel_loop3A_253] : memref<32xf32, #tpu.memory_space<vmem>>[vector<16xi32>], vector<16xf32>,
        %parallel_loop3A_257 = tpu.vector_load_idx %arg9[%parallel_loop3A_253] : memref<32xf32, #tpu.memory_space<vmem>>[vector<16xi32>], vector<16xf32>,
        %parallel_loop3A_258 = arith.mulf %parallel_loop3A_255, %parallel_loop3A_183 : vector<16xf32>
        %parallel_loop3A_259 = arith.addf %parallel_loop3A_254, %parallel_loop3A_258 : vector<16xf32>
        %parallel_loop3A_260 = arith.mulf %parallel_loop3A_256, %parallel_loop3A_184 : vector<16xf32>
        %parallel_loop3A_261 = arith.addf %parallel_loop3A_259, %parallel_loop3A_260 : vector<16xf32>
        %parallel_loop3A_262 = arith.mulf %parallel_loop3A_257, %parallel_loop3A_185 : vector<16xf32>
        %parallel_loop3A_263 = arith.addf %parallel_loop3A_261, %parallel_loop3A_262 : vector<16xf32>
        %parallel_loop3A_264 = arith.constant 128 : i32
        %parallel_loop3A_265 = arith.addi %parallel_loop3A_233, %parallel_loop3A_264 : i32
        %parallel_loop3A_266 = arith.index_cast %parallel_loop3A_265 : i32 to index
        %parallel_loop3A_267 = tpu.vector_load %arg13[%parallel_loop3A_266] {strides = array<i32>} : memref<32768xf32, #tpu.memory_space<vmem>>, vector<16xf32>,
        tpu.vector_store %arg13[%parallel_loop3A_266], %parallel_loop3A_263 {strides = array<i32>} : memref<32768xf32, #tpu.memory_space<vmem>>, vector<16xf32>,
        %parallel_loop3A_268 = arith.constant 2 : i32
        %parallel_loop3A_269 = vector.broadcast %parallel_loop3A_268 : i32 to vector<16xi32>
        %parallel_loop3A_270 = arith.addi %parallel_loop3A_188, %parallel_loop3A_269 : vector<16xi32>
        %parallel_loop3A_271 = tpu.vector_load_idx %arg6[%parallel_loop3A_270] : memref<32xf32, #tpu.memory_space<vmem>>[vector<16xi32>], vector<16xf32>,
        %parallel_loop3A_272 = tpu.vector_load_idx %arg7[%parallel_loop3A_270] : memref<32xf32, #tpu.memory_space<vmem>>[vector<16xi32>], vector<16xf32>,
        %parallel_loop3A_273 = tpu.vector_load_idx %arg8[%parallel_loop3A_270] : memref<32xf32, #tpu.memory_space<vmem>>[vector<16xi32>], vector<16xf32>,
        %parallel_loop3A_274 = tpu.vector_load_idx %arg9[%parallel_loop3A_270] : memref<32xf32, #tpu.memory_space<vmem>>[vector<16xi32>], vector<16xf32>,
        %parallel_loop3A_275 = arith.mulf %parallel_loop3A_272, %parallel_loop3A_183 : vector<16xf32>
        %parallel_loop3A_276 = arith.addf %parallel_loop3A_271, %parallel_loop3A_275 : vector<16xf32>
        %parallel_loop3A_277 = arith.mulf %parallel_loop3A_273, %parallel_loop3A_184 : vector<16xf32>
        %parallel_loop3A_278 = arith.addf %parallel_loop3A_276, %parallel_loop3A_277 : vector<16xf32>
        %parallel_loop3A_279 = arith.mulf %parallel_loop3A_274, %parallel_loop3A_185 : vector<16xf32>
        %parallel_loop3A_280 = arith.addf %parallel_loop3A_278, %parallel_loop3A_279 : vector<16xf32>
        %parallel_loop3A_281 = arith.constant 256 : i32
        %parallel_loop3A_282 = arith.addi %parallel_loop3A_233, %parallel_loop3A_281 : i32
        %parallel_loop3A_283 = arith.index_cast %parallel_loop3A_282 : i32 to index
        %parallel_loop3A_284 = tpu.vector_load %arg13[%parallel_loop3A_283] {strides = array<i32>} : memref<32768xf32, #tpu.memory_space<vmem>>, vector<16xf32>,
        tpu.vector_store %arg13[%parallel_loop3A_283], %parallel_loop3A_280 {strides = array<i32>} : memref<32768xf32, #tpu.memory_space<vmem>>, vector<16xf32>,
        %parallel_loop3A_285 = arith.constant 3 : i32
        %parallel_loop3A_286 = vector.broadcast %parallel_loop3A_285 : i32 to vector<16xi32>
        %parallel_loop3A_287 = arith.addi %parallel_loop3A_188, %parallel_loop3A_286 : vector<16xi32>
        %parallel_loop3A_288 = tpu.vector_load_idx %arg6[%parallel_loop3A_287] : memref<32xf32, #tpu.memory_space<vmem>>[vector<16xi32>], vector<16xf32>,
        %parallel_loop3A_289 = tpu.vector_load_idx %arg7[%parallel_loop3A_287] : memref<32xf32, #tpu.memory_space<vmem>>[vector<16xi32>], vector<16xf32>,
        %parallel_loop3A_290 = tpu.vector_load_idx %arg8[%parallel_loop3A_287] : memref<32xf32, #tpu.memory_space<vmem>>[vector<16xi32>], vector<16xf32>,
        %parallel_loop3A_291 = tpu.vector_load_idx %arg9[%parallel_loop3A_287] : memref<32xf32, #tpu.memory_space<vmem>>[vector<16xi32>], vector<16xf32>,
        %parallel_loop3A_292 = arith.mulf %parallel_loop3A_289, %parallel_loop3A_183 : vector<16xf32>
        %parallel_loop3A_293 = arith.addf %parallel_loop3A_288, %parallel_loop3A_292 : vector<16xf32>
        %parallel_loop3A_294 = arith.mulf %parallel_loop3A_290, %parallel_loop3A_184 : vector<16xf32>
        %parallel_loop3A_295 = arith.addf %parallel_loop3A_293, %parallel_loop3A_294 : vector<16xf32>
        %parallel_loop3A_296 = arith.mulf %parallel_loop3A_291, %parallel_loop3A_185 : vector<16xf32>
        %parallel_loop3A_297 = arith.addf %parallel_loop3A_295, %parallel_loop3A_296 : vector<16xf32>
        %parallel_loop3A_298 = arith.constant 384 : i32
        %parallel_loop3A_299 = arith.addi %parallel_loop3A_233, %parallel_loop3A_298 : i32
        %parallel_loop3A_300 = arith.index_cast %parallel_loop3A_299 : i32 to index
        %parallel_loop3A_301 = tpu.vector_load %arg13[%parallel_loop3A_300] {strides = array<i32>} : memref<32768xf32, #tpu.memory_space<vmem>>, vector<16xf32>,
        tpu.vector_store %arg13[%parallel_loop3A_300], %parallel_loop3A_297 {strides = array<i32>} : memref<32768xf32, #tpu.memory_space<vmem>>, vector<16xf32>,
        %parallel_loop3A_302 = arith.constant 4 : i32
        %parallel_loop3A_303 = vector.broadcast %parallel_loop3A_302 : i32 to vector<16xi32>
        %parallel_loop3A_304 = arith.addi %parallel_loop3A_188, %parallel_loop3A_303 : vector<16xi32>
        %parallel_loop3A_305 = tpu.vector_load_idx %arg6[%parallel_loop3A_304] : memref<32xf32, #tpu.memory_space<vmem>>[vector<16xi32>], vector<16xf32>,
        %parallel_loop3A_306 = tpu.vector_load_idx %arg7[%parallel_loop3A_304] : memref<32xf32, #tpu.memory_space<vmem>>[vector<16xi32>], vector<16xf32>,
        %parallel_loop3A_307 = tpu.vector_load_idx %arg8[%parallel_loop3A_304] : memref<32xf32, #tpu.memory_space<vmem>>[vector<16xi32>], vector<16xf32>,
        %parallel_loop3A_308 = tpu.vector_load_idx %arg9[%parallel_loop3A_304] : memref<32xf32, #tpu.memory_space<vmem>>[vector<16xi32>], vector<16xf32>,
        %parallel_loop3A_309 = arith.mulf %parallel_loop3A_306, %parallel_loop3A_183 : vector<16xf32>
        %parallel_loop3A_310 = arith.addf %parallel_loop3A_305, %parallel_loop3A_309 : vector<16xf32>
        %parallel_loop3A_311 = arith.mulf %parallel_loop3A_307, %parallel_loop3A_184 : vector<16xf32>
        %parallel_loop3A_312 = arith.addf %parallel_loop3A_310, %parallel_loop3A_311 : vector<16xf32>
        %parallel_loop3A_313 = arith.mulf %parallel_loop3A_308, %parallel_loop3A_185 : vector<16xf32>
        %parallel_loop3A_314 = arith.addf %parallel_loop3A_312, %parallel_loop3A_313 : vector<16xf32>
        %parallel_loop3A_315 = arith.constant 512 : i32
        %parallel_loop3A_316 = arith.addi %parallel_loop3A_233, %parallel_loop3A_315 : i32
        %parallel_loop3A_317 = arith.index_cast %parallel_loop3A_316 : i32 to index
        %parallel_loop3A_318 = tpu.vector_load %arg13[%parallel_loop3A_317] {strides = array<i32>} : memref<32768xf32, #tpu.memory_space<vmem>>, vector<16xf32>,
        tpu.vector_store %arg13[%parallel_loop3A_317], %parallel_loop3A_314 {strides = array<i32>} : memref<32768xf32, #tpu.memory_space<vmem>>, vector<16xf32>,
        %parallel_loop3A_319 = arith.constant 5 : i32
        %parallel_loop3A_320 = vector.broadcast %parallel_loop3A_319 : i32 to vector<16xi32>
        %parallel_loop3A_321 = arith.addi %parallel_loop3A_188, %parallel_loop3A_320 : vector<16xi32>
        %parallel_loop3A_322 = tpu.vector_load_idx %arg6[%parallel_loop3A_321] : memref<32xf32, #tpu.memory_space<vmem>>[vector<16xi32>], vector<16xf32>,
        %parallel_loop3A_323 = tpu.vector_load_idx %arg7[%parallel_loop3A_321] : memref<32xf32, #tpu.memory_space<vmem>>[vector<16xi32>], vector<16xf32>,
        %parallel_loop3A_324 = tpu.vector_load_idx %arg8[%parallel_loop3A_321] : memref<32xf32, #tpu.memory_space<vmem>>[vector<16xi32>], vector<16xf32>,
        %parallel_loop3A_325 = tpu.vector_load_idx %arg9[%parallel_loop3A_321] : memref<32xf32, #tpu.memory_space<vmem>>[vector<16xi32>], vector<16xf32>,
        %parallel_loop3A_326 = arith.mulf %parallel_loop3A_323, %parallel_loop3A_183 : vector<16xf32>
        %parallel_loop3A_327 = arith.addf %parallel_loop3A_322, %parallel_loop3A_326 : vector<16xf32>
        %parallel_loop3A_328 = arith.mulf %parallel_loop3A_324, %parallel_loop3A_184 : vector<16xf32>
        %parallel_loop3A_329 = arith.addf %parallel_loop3A_327, %parallel_loop3A_328 : vector<16xf32>
        %parallel_loop3A_330 = arith.mulf %parallel_loop3A_325, %parallel_loop3A_185 : vector<16xf32>
        %parallel_loop3A_331 = arith.addf %parallel_loop3A_329, %parallel_loop3A_330 : vector<16xf32>
        %parallel_loop3A_332 = arith.constant 640 : i32
        %parallel_loop3A_333 = arith.addi %parallel_loop3A_233, %parallel_loop3A_332 : i32
        %parallel_loop3A_334 = arith.index_cast %parallel_loop3A_333 : i32 to index
        %parallel_loop3A_335 = tpu.vector_load %arg13[%parallel_loop3A_334] {strides = array<i32>} : memref<32768xf32, #tpu.memory_space<vmem>>, vector<16xf32>,
        tpu.vector_store %arg13[%parallel_loop3A_334], %parallel_loop3A_331 {strides = array<i32>} : memref<32768xf32, #tpu.memory_space<vmem>>, vector<16xf32>,
        %parallel_loop3A_336 = arith.constant 6 : i32
        %parallel_loop3A_337 = vector.broadcast %parallel_loop3A_336 : i32 to vector<16xi32>
        %parallel_loop3A_338 = arith.addi %parallel_loop3A_188, %parallel_loop3A_337 : vector<16xi32>
        %parallel_loop3A_339 = tpu.vector_load_idx %arg6[%parallel_loop3A_338] : memref<32xf32, #tpu.memory_space<vmem>>[vector<16xi32>], vector<16xf32>,
        %parallel_loop3A_340 = tpu.vector_load_idx %arg7[%parallel_loop3A_338] : memref<32xf32, #tpu.memory_space<vmem>>[vector<16xi32>], vector<16xf32>,
        %parallel_loop3A_341 = tpu.vector_load_idx %arg8[%parallel_loop3A_338] : memref<32xf32, #tpu.memory_space<vmem>>[vector<16xi32>], vector<16xf32>,
        %parallel_loop3A_342 = tpu.vector_load_idx %arg9[%parallel_loop3A_338] : memref<32xf32, #tpu.memory_space<vmem>>[vector<16xi32>], vector<16xf32>,
        %parallel_loop3A_343 = arith.mulf %parallel_loop3A_340, %parallel_loop3A_183 : vector<16xf32>
        %parallel_loop3A_344 = arith.addf %parallel_loop3A_339, %parallel_loop3A_343 : vector<16xf32>
        %parallel_loop3A_345 = arith.mulf %parallel_loop3A_341, %parallel_loop3A_184 : vector<16xf32>
        %parallel_loop3A_346 = arith.addf %parallel_loop3A_344, %parallel_loop3A_345 : vector<16xf32>
        %parallel_loop3A_347 = arith.mulf %parallel_loop3A_342, %parallel_loop3A_185 : vector<16xf32>
        %parallel_loop3A_348 = arith.addf %parallel_loop3A_346, %parallel_loop3A_347 : vector<16xf32>
        %parallel_loop3A_349 = arith.constant 768 : i32
        %parallel_loop3A_350 = arith.addi %parallel_loop3A_233, %parallel_loop3A_349 : i32
        %parallel_loop3A_351 = arith.index_cast %parallel_loop3A_350 : i32 to index
        %parallel_loop3A_352 = tpu.vector_load %arg13[%parallel_loop3A_351] {strides = array<i32>} : memref<32768xf32, #tpu.memory_space<vmem>>, vector<16xf32>,
        tpu.vector_store %arg13[%parallel_loop3A_351], %parallel_loop3A_348 {strides = array<i32>} : memref<32768xf32, #tpu.memory_space<vmem>>, vector<16xf32>,
        %parallel_loop3A_353 = arith.constant 7 : i32
        %parallel_loop3A_354 = vector.broadcast %parallel_loop3A_353 : i32 to vector<16xi32>
        %parallel_loop3A_355 = arith.addi %parallel_loop3A_188, %parallel_loop3A_354 : vector<16xi32>
        %parallel_loop3A_356 = tpu.vector_load_idx %arg6[%parallel_loop3A_355] : memref<32xf32, #tpu.memory_space<vmem>>[vector<16xi32>], vector<16xf32>,
        %parallel_loop3A_357 = tpu.vector_load_idx %arg7[%parallel_loop3A_355] : memref<32xf32, #tpu.memory_space<vmem>>[vector<16xi32>], vector<16xf32>,
        %parallel_loop3A_358 = tpu.vector_load_idx %arg8[%parallel_loop3A_355] : memref<32xf32, #tpu.memory_space<vmem>>[vector<16xi32>], vector<16xf32>,
        %parallel_loop3A_359 = tpu.vector_load_idx %arg9[%parallel_loop3A_355] : memref<32xf32, #tpu.memory_space<vmem>>[vector<16xi32>], vector<16xf32>,
        %parallel_loop3A_360 = arith.mulf %parallel_loop3A_357, %parallel_loop3A_183 : vector<16xf32>
        %parallel_loop3A_361 = arith.addf %parallel_loop3A_356, %parallel_loop3A_360 : vector<16xf32>
        %parallel_loop3A_362 = arith.mulf %parallel_loop3A_358, %parallel_loop3A_184 : vector<16xf32>
        %parallel_loop3A_363 = arith.addf %parallel_loop3A_361, %parallel_loop3A_362 : vector<16xf32>
        %parallel_loop3A_364 = arith.mulf %parallel_loop3A_359, %parallel_loop3A_185 : vector<16xf32>
        %parallel_loop3A_365 = arith.addf %parallel_loop3A_363, %parallel_loop3A_364 : vector<16xf32>
        %parallel_loop3A_366 = arith.constant 896 : i32
        %parallel_loop3A_367 = arith.addi %parallel_loop3A_233, %parallel_loop3A_366 : i32
        %parallel_loop3A_368 = arith.index_cast %parallel_loop3A_367 : i32 to index
        %parallel_loop3A_369 = tpu.vector_load %arg13[%parallel_loop3A_368] {strides = array<i32>} : memref<32768xf32, #tpu.memory_space<vmem>>, vector<16xf32>,
        tpu.vector_store %arg13[%parallel_loop3A_368], %parallel_loop3A_365 {strides = array<i32>} : memref<32768xf32, #tpu.memory_space<vmem>>, vector<16xf32>,
      } {sc.loop_unroll_factor = 2 : i64, sc.parallel_access}
      %mul3A_158 = arith.constant 4096 : i32
      %mul3A_159 = arith.muli %add3A_123, %mul3A_158 : i32
      %add3A_160 = arith.addi %mul3A_95, %mul3A_159 : i32
      %mul3A_161 = arith.constant 8 : i32
      %mul3A_162 = arith.muli %add3A_160, %mul3A_161 : i32
      %dma_start3A_163 = tpu.memref_slice %arg4[%mul3A_162] : memref<16777216xf32, #tpu.memory_space<hbm>> -> memref<32768xf32, #tpu.memory_space<hbm>>
      %dma_start3A_164 = tpu.memref_slice %arg4[%mul3A_162] : memref<16777216xf32, #tpu.memory_space<hbm>> -> memref<32768xf32, #tpu.memory_space<hbm>>
      tpu.enqueue_dma source(%arg13 : memref<32768xf32, #tpu.memory_space<vmem>>) target(%dma_start3A_164 : memref<32768xf32, #tpu.memory_space<hbm>>) target_semaphore(%arg17 : memref<!tpu.dma_semaphore, #tpu.memory_space<semaphore_mem>>)
      %lt3A_165 = arith.constant 7 : i32
      %lt3A_166 = arith.cmpi slt, %scan3A_119, %lt3A_165 : i32
      %convert_element_type3A_167 = arith.extui %lt3A_166 : i1 to i32
      %cond3A_168 = arith.constant 0 : i32
      %cond3A_169 = arith.cmpi ne, %convert_element_type3A_167, %cond3A_168 : i32
      scf.if %cond3A_169 {
        %add3A_170 = arith.constant 2 : i32
        %add3A_171 = arith.addi %add3A_123, %add3A_170 : i32
        %mul3A_172 = arith.constant 4096 : i32
        %mul3A_173 = arith.muli %add3A_171, %mul3A_172 : i32
        %add3A_174 = arith.addi %mul3A_95, %mul3A_173 : i32
        %dma_start3A_175 = tpu.memref_slice %arg2[%add3A_174] : memref<2097152xf32, #tpu.memory_space<hbm>> -> memref<4096xf32, #tpu.memory_space<hbm>>
        %dma_start3A_176 = tpu.memref_slice %arg2[%add3A_174] : memref<2097152xf32, #tpu.memory_space<hbm>> -> memref<4096xf32, #tpu.memory_space<hbm>>
        tpu.enqueue_dma source(%dma_start3A_176 : memref<4096xf32, #tpu.memory_space<hbm>>) target(%arg11 : memref<4096xf32, #tpu.memory_space<vmem>>) target_semaphore(%arg15 : memref<!tpu.dma_semaphore, #tpu.memory_space<semaphore_mem>>)
      } else {
      }
    }
    %scan3A_107 = arith.constant 8 : i32
    %add3A_108 = arith.constant 57344 : i32
    %add3A_109 = arith.addi %mul3A_95, %add3A_108 : i32
    %mul3A_110 = arith.constant 8 : i32
    %mul3A_111 = arith.muli %add3A_109, %mul3A_110 : i32
    %dma_wait3A = tpu.memref_slice %arg4[%mul3A_111] : memref<16777216xf32, #tpu.memory_space<hbm>> -> memref<32768xf32, #tpu.memory_space<hbm>>
    %dma_wait3A_112 = tpu.memref_slice %arg4[%mul3A_111] : memref<16777216xf32, #tpu.memory_space<hbm>> -> memref<32768xf32, #tpu.memory_space<hbm>>
    tpu.wait_dma2 semaphore(%arg16 : memref<!tpu.dma_semaphore, #tpu.memory_space<semaphore_mem>>) src(%arg12 : memref<32768xf32, #tpu.memory_space<vmem>>) dst(%dma_wait3A_112 : memref<32768xf32, #tpu.memory_space<hbm>>)
    %add3A_113 = arith.constant 61440 : i32
    %add3A_114 = arith.addi %mul3A_95, %add3A_113 : i32
    %mul3A_115 = arith.constant 8 : i32
    %mul3A_116 = arith.muli %add3A_114, %mul3A_115 : i32
    %dma_wait3A_117 = tpu.memref_slice %arg4[%mul3A_116] : memref<16777216xf32, #tpu.memory_space<hbm>> -> memref<32768xf32, #tpu.memory_space<hbm>>
    %dma_wait3A_118 = tpu.memref_slice %arg4[%mul3A_116] : memref<16777216xf32, #tpu.memory_space<hbm>> -> memref<32768xf32, #tpu.memory_space<hbm>>
    tpu.wait_dma2 semaphore(%arg17 : memref<!tpu.dma_semaphore, #tpu.memory_space<semaphore_mem>>) src(%arg13 : memref<32768xf32, #tpu.memory_space<vmem>>) dst(%dma_wait3A_118 : memref<32768xf32, #tpu.memory_space<hbm>>)
    return
  }
}

module attributes {stable_mosaic.version = 14 : i64} {
  func.func @body(%arg0: memref<1x8xf32, #tpu.memory_space<vmem>>, %arg1: memref<1x8xf32, #tpu.memory_space<vmem>>, %arg2: memref<16x16xf32, #tpu.memory_space<vmem>>, %arg3: memref<16x8xf32, #tpu.memory_space<vmem>>, %arg4: memref<16x8xf32, #tpu.memory_space<vmem>>) attributes {dimension_semantics = [], scalar_prefetch = 0 : i64, scratch_operands = 0 : i64, tpu.core_type = #tpu.core_type<tc>} {
    %get3A = arith.constant 0 : index
    %get3A_0 = arith.constant 0 : index
    %get3A_1 = vector.load %arg2[%get3A, %get3A_0] : memref<16x16xf32, #tpu.memory_space<vmem>>, vector<16x16xf32>
    %get3A_2 = arith.constant 0 : index
    %get3A_3 = arith.constant 0 : index
    %get3A_4 = vector.load %arg3[%get3A_2, %get3A_3] : memref<16x8xf32, #tpu.memory_space<vmem>>, vector<16x8xf32>
    %dot_general3A = arith.constant dense<0.000000e+00> : vector<16x8xf32>
    %dot_general3A_5 = tpu.matmul %get3A_1, %get3A_4, %dot_general3A {dimension_numbers = #tpu.dot_dimension_numbers<[1], [0], [0], [1], [0, 0, 1, 1], [], []>, transpose_lhs_hint = false} : vector<16x16xf32>, vector<16x8xf32>, vector<16x8xf32> -> vector<16x8xf32>
    %iota3A = tpu.iota {dimensions = array<i32: 0>} : vector<16x8xi32>
    %jit3A = arith.constant 4 : i32
    %div3A = vector.broadcast %jit3A : i32 to vector<16x8xi32>
    %div3A_6 = arith.divsi %iota3A, %div3A : vector<16x8xi32>
    %sign3A = arith.constant 0 : i32
    %sign3A_7 = vector.broadcast %sign3A : i32 to vector<16x8xi32>
    %sign3A_8 = arith.cmpi sgt, %iota3A, %sign3A_7 : vector<16x8xi32>
    %sign3A_9 = arith.extui %sign3A_8 : vector<16x8xi1> to vector<16x8xi32>
    %sign3A_10 = arith.constant 0 : i32
    %sign3A_11 = vector.broadcast %sign3A_10 : i32 to vector<16x8xi32>
    %sign3A_12 = arith.cmpi slt, %iota3A, %sign3A_11 : vector<16x8xi32>
    %sign3A_13 = arith.extui %sign3A_12 : vector<16x8xi1> to vector<16x8xi32>
    %sign3A_14 = arith.subi %sign3A_9, %sign3A_13 : vector<16x8xi32>
    %sign3A_15 = arith.constant 0 : i32
    %sign3A_16 = arith.cmpi sgt, %jit3A, %sign3A_15 : i32
    %sign3A_17 = arith.extui %sign3A_16 : i1 to i32
    %sign3A_18 = arith.constant 0 : i32
    %sign3A_19 = arith.cmpi slt, %jit3A, %sign3A_18 : i32
    %sign3A_20 = arith.extui %sign3A_19 : i1 to i32
    %sign3A_21 = arith.subi %sign3A_17, %sign3A_20 : i32
    %ne3A = vector.broadcast %sign3A_21 : i32 to vector<16x8xi32>
    %ne3A_22 = arith.cmpi ne, %sign3A_14, %ne3A : vector<16x8xi32>
    %rem3A = vector.broadcast %jit3A : i32 to vector<16x8xi32>
    %rem3A_23 = arith.remsi %iota3A, %rem3A : vector<16x8xi32>
    %ne3A_24 = arith.constant 0 : i32
    %ne3A_25 = vector.broadcast %ne3A_24 : i32 to vector<16x8xi32>
    %ne3A_26 = arith.cmpi ne, %rem3A_23, %ne3A_25 : vector<16x8xi32>
    %and3A = arith.andi %ne3A_22, %ne3A_26 : vector<16x8xi1>
    %sub3A = arith.constant 1 : i32
    %sub3A_27 = vector.broadcast %sub3A : i32 to vector<16x8xi32>
    %sub3A_28 = arith.subi %div3A_6, %sub3A_27 : vector<16x8xi32>
    %select_n3A = arith.select %and3A, %sub3A_28, %div3A_6 : vector<16x8xi1>, vector<16x8xi32>
    %convert_element_type3A = arith.sitofp %select_n3A : vector<16x8xi32> to vector<16x8xf32>
    %jit3A_29 = arith.constant 4 : i32
    %eq3A = arith.constant 0 : i32
    %eq3A_30 = arith.cmpi eq, %jit3A_29, %eq3A : i32
    %jit3A_31 = arith.constant 1 : i32
    %select_n3A_32 = arith.select %eq3A_30, %jit3A_31, %jit3A_29 : i32
    %rem3A_33 = vector.broadcast %select_n3A_32 : i32 to vector<16x8xi32>
    %rem3A_34 = arith.remsi %iota3A, %rem3A_33 : vector<16x8xi32>
    %ne3A_35 = arith.constant 0 : i32
    %ne3A_36 = vector.broadcast %ne3A_35 : i32 to vector<16x8xi32>
    %ne3A_37 = arith.cmpi ne, %rem3A_34, %ne3A_36 : vector<16x8xi32>
    %lt3A = arith.constant 0 : i32
    %lt3A_38 = vector.broadcast %lt3A : i32 to vector<16x8xi32>
    %lt3A_39 = arith.cmpi slt, %rem3A_34, %lt3A_38 : vector<16x8xi32>
    %lt3A_40 = arith.constant 0 : i32
    %lt3A_41 = arith.cmpi slt, %select_n3A_32, %lt3A_40 : i32
    %ne3A_42 = vector.broadcast %lt3A_41 : i1 to vector<16x8xi1>
    %ne3A_43 = vector.broadcast %ne3A_42 : vector<16x8xi1> to vector<16x8xi1>
    %ne3A_44 = arith.xori %lt3A_39, %ne3A_43 : vector<16x8xi1>
    %and3A_45 = arith.andi %ne3A_44, %ne3A_37 : vector<16x8xi1>
    %add3A = vector.broadcast %select_n3A_32 : i32 to vector<16x8xi32>
    %add3A_46 = arith.addi %rem3A_34, %add3A : vector<16x8xi32>
    %select_n3A_47 = arith.select %and3A_45, %add3A_46, %rem3A_34 : vector<16x8xi1>, vector<16x8xi32>
    %get3A_48 = arith.constant 0 : index
    %get3A_49 = arith.constant 0 : index
    %get3A_50 = vector.load %arg0[%get3A_48, %get3A_49] : memref<1x8xf32, #tpu.memory_space<vmem>>, vector<1x8xf32>
    %get3A_51 = arith.constant 0 : index
    %get3A_52 = arith.constant 0 : index
    %get3A_53 = vector.load %arg1[%get3A_51, %get3A_52] : memref<1x8xf32, #tpu.memory_space<vmem>>, vector<1x8xf32>
    %sub3A_54 = arith.subf %get3A_53, %get3A_50 : vector<1x8xf32>
    %mul3A = arith.constant 2.500000e-01 : f32
    %mul3A_55 = vector.broadcast %mul3A : f32 to vector<1x8xf32>
    %mul3A_56 = arith.mulf %sub3A_54, %mul3A_55 : vector<1x8xf32>
    %mul3A_57 = vector.broadcast %mul3A_56 : vector<1x8xf32> to vector<16x8xf32>
    %mul3A_58 = arith.mulf %convert_element_type3A, %mul3A_57 : vector<16x8xf32>
    %add3A_59 = vector.broadcast %get3A_50 : vector<1x8xf32> to vector<16x8xf32>
    %add3A_60 = arith.addf %add3A_59, %mul3A_58 : vector<16x8xf32>
    %broadcast_in_dim3A = vector.shape_cast %mul3A_56 : vector<1x8xf32> to vector<1x8xf32>
    %broadcast_in_dim3A_61 = vector.broadcast %broadcast_in_dim3A : vector<1x8xf32> to vector<16x8xf32>
    %broadcast_in_dim3A_62 = arith.constant 0.000000e+00 : f32
    %broadcast_in_dim3A_63 = vector.broadcast %broadcast_in_dim3A_62 : f32 to vector<16x8xf32>
    %eq3A_64 = arith.constant 0 : i32
    %eq3A_65 = vector.broadcast %eq3A_64 : i32 to vector<16x8xi32>
    %eq3A_66 = arith.cmpi eq, %select_n3A_47, %eq3A_65 : vector<16x8xi32>
    %eq3A_67 = arith.constant 1 : i32
    %eq3A_68 = vector.broadcast %eq3A_67 : i32 to vector<16x8xi32>
    %eq3A_69 = arith.cmpi eq, %select_n3A_47, %eq3A_68 : vector<16x8xi32>
    %select_n3A_70 = arith.select %eq3A_69, %broadcast_in_dim3A_61, %broadcast_in_dim3A_63 : vector<16x8xi1>, vector<16x8xf32>
    %select_n3A_71 = arith.select %eq3A_66, %add3A_60, %select_n3A_70 : vector<16x8xi1>, vector<16x8xf32>
    %add3A_72 = arith.addf %dot_general3A_5, %select_n3A_71 : vector<16x8xf32>
    %swap3A = arith.constant 0 : index
    %swap3A_73 = arith.constant 0 : index
    %swap3A_74 = vector.load %arg4[%swap3A, %swap3A_73] : memref<16x8xf32, #tpu.memory_space<vmem>>, vector<16x8xf32>
    tpu.vector_store %arg4[%swap3A, %swap3A_73], %add3A_72 {strides = array<i32>} : memref<16x8xf32, #tpu.memory_space<vmem>>, vector<16x8xf32>,
    return
  }
}

</mosaic_0001>

<sc_bundles>
// kernel: kernel.4.cloned.1.call-start
scs
__scs_entry_jumppad:
0x0: {  	(pc) =	sbr.rel $0x88, $3  }
0x1: {  	(tag) =	ssettag $0x0;
	lr =	simm.s32 $0x1  }
0x2: {  	[smem:$0x3F9C] =	sst lr;
	_ =	strace $0xD0000000  }
0x3: {  	_ = 	snop  }
0x4: {  	_ = 	snop  }
0x5: {  	_ = 	snop  }
0x6: {  	_ = 	snop  }
0x7: {  	_ = 	snop  }
__scs_overlays_trampoline_lowered:
0x8: {  	[smem:$0x3FAB] =	sst s0  }
0x9: {  	[smem:$0x3FAC] =	sst s1  }
0xa: {  	[smem:$0x3FAD] =	sst s2  }
0xb: {  	[smem:$0x3FAE] =	sst s3  }
0xc: {  	[smem:$0x3FAF] =	sst s4  }
0xd: {  	[smem:$0x3FB0] =	sst s5  }
0xe: {  	[smem:$0x3FB1] =	sst s6  }
0xf: {  	[smem:$0x3FB2] =	sst s7  }
0x10: {  	[smem:$0x3FB3] =	sst s8  }
0x11: {  	[smem:$0x3FB4] =	sst s9;
	s0 =	simm.s32 @!p0 $0x0  }
0x12: {  	s1 =	sld [smem:$0x3F9A];
	s0 =	simm.s32 @p0 $0x1  }
0x13: {  	[smem:$0x3FB5] =	sst s0;
	s0 =	simm.s32 @!p1 $0x0  }
0x14: {  	s2 =	sld [smem:$0x3F99];
	s0 =	simm.s32 @p1 $0x1  }
0x15: {  	[smem:$0x3FB6] =	sst s0;
	s0 =	simm.s32 @!p2 $0x0  }
0x16: {  	s3 =	sld [smem:$0x3FDB];
	s0 =	simm.s32 @p2 $0x1  }
0x17: {  	s4 =	simm.s32 $0x1BF5;
	[smem:$0x3FB8] =	sst s0  }
0x18: {  	s0 =	sld [smem:$0x3F9B];
	_ =	swait.ge [sflag:s4], $0x0  }
0x19: {  	s7 =	sld [smem:$0x3F9C]  }
0x1a: {  	s8 =	sadd.s32 $0xFFFFE003, lr  }
0x1b: {  	s9 =	sadd.s32 $0xFFFFFEF7, lr;
	s5 =	simm.s32 $0xFFFFFFFF;
	p2 =	slt.u32 s8, $0xFFFFF086  }
0x1c: {  	p1 =	slt.u32 s9, $0xF7A;
	s5 =	simm.s32 @!p2 $0x0  }
0x1d: {  	s5 =	simm.s32 @p1 $0x1;
	p0 =	seq.s32 s7, s2  }
0x1e: {  	s7 =	smul.u32 @!p0 $0xF7A, s2;
	p2 =	seq.s32 @!p0 s5, $0x0  }
0x1f: {  	s9 =	smul.u32 $0xF7A, s1;
	s8 =	simm.s32 @!p0 $0x1BF5;
	p2 =	por !p2, p0  }
0x20: {  	[sflag:s8] =	ssyncset.s32 @!p0 $0xFFFFF086;
	s6 =	sadd.s32 @!p0 s3, s7;
	s7 =	simm.s32 @!p0 $0x108  }
0x21: {  	s3 =	sadd.s32 s3, s9;
	s6 =	sadd.s32 @!p0 $0x88, s6;
	s7 =	simm.s32 @p2 $0x1082  }
0x22: {  	[simem:s7], [sflag:s8] =	dma.local @!p0 [hbm:s6], $0xF7A  }
0x23: {  	s9 =	sor.u32 $0xD0000000, s2;
	s6 =	simm.s32 $0x108;
	_ =	swait.ge @!p0 [sflag:s8], $0x0  }
0x24: {  	s3 =	sadd.s32 $0x88, s3;
	s6 =	simm.s32 @!p1 $0x1082;
	[sflag:s4] =	ssyncset.s32 $0xFFFFF086  }
0x25: {  	[simem:s6], [sflag:s4] =	dma.local [hbm:s3], $0xF7A  }
0x26: {  	[smem:$0x3F9C] =	sst s1;
	(tag) =	ssettag s2;
	_ =	strace s9  }
0x27: {  	s1 =	sld [smem:$0x3FAC]  }
0x28: {  	s2 =	sld [smem:$0x3FAD]  }
0x29: {  	s4 =	sld [smem:$0x3FAF]  }
0x2a: {  	p0 =	seq.s32 s5, $0x0;
	s5 =	sld [smem:$0x3FB0]  }
0x2b: {  	s6 =	sld [smem:$0x3FB1]  }
0x2c: {  	s7 =	sld [smem:$0x3FB2]  }
0x2d: {  	s3 =	simm.s32 $0x108;
	s8 =	sld [smem:$0x3FB3]  }
0x2e: {  	s3 =	simm.s32 @!p0 $0x1082;
	s9 =	sld [smem:$0x3FB4]  }
0x2f: {  	lr =	sadd.s32 s0, s3;
	s0 =	sld [smem:$0x3FAB]  }
0x30: {  	s3 =	sld [smem:$0x3FAE]  }
0x31: {  	[smem:$0x3FB7] =	sst s10  }
0x32: {  	s10 =	sld [smem:$0x3FB5];
	_ =	sdelay $0x3  }
0x33: {  	p0 =	seq.s32 s10, $0x1;
	s10 =	sld [smem:$0x3FB7];
	_ =	sdelay $0x3  }
0x34: {  	[smem:$0x3FB7] =	sst s10  }
0x35: {  	s10 =	sld [smem:$0x3FB6];
	_ =	sdelay $0x3  }
0x36: {  	p1 =	seq.s32 s10, $0x1;
	s10 =	sld [smem:$0x3FB7];
	_ =	sdelay $0x3  }
0x37: {  	[smem:$0x3FB7] =	sst s10  }
0x38: {  	s10 =	sld [smem:$0x3FB8]  }
0x39: {  	_ = 	snop;
	(pc) =	sbr.ind lr, $3  }
0x3a: {  	_ = 	snop  }
0x3b: {  	_ = 	snop  }
0x3c: {  	p2 =	seq.s32 s10, $0x1;
	s10 =	sld [smem:$0x3FB7]  }
0x3d: {  	_ =	shalt  }
0x3e: {  	_ =	shalt  }
0x3f: {  	_ =	shalt  }
0x40: {  	_ =	shalt  }
0x41: {  	_ =	shalt  }
0x42: {  	_ =	shalt  }
0x43: {  	_ =	shalt  }
0x44: {  	_ =	shalt  }
0x45: {  	_ =	shalt  }
0x46: {  	_ =	shalt  }
0x47: {  	_ =	shalt  }
0x48: {  	_ =	shalt  }
0x49: {  	_ =	shalt  }
0x4a: {  	_ =	shalt  }
0x4b: {  	_ =	shalt  }
0x4c: {  	_ =	shalt  }
0x4d: {  	_ =	shalt  }
0x4e: {  	_ =	shalt  }
0x4f: {  	_ =	shalt  }
0x50: {  	_ =	shalt  }
0x51: {  	_ =	shalt  }
0x52: {  	_ =	shalt  }
0x53: {  	_ =	shalt  }
0x54: {  	_ =	shalt  }
0x55: {  	_ =	shalt  }
0x56: {  	_ =	shalt  }
0x57: {  	_ =	shalt  }
0x58: {  	_ =	shalt  }
0x59: {  	_ =	shalt  }
0x5a: {  	_ =	shalt  }
0x5b: {  	_ =	shalt  }
0x5c: {  	_ =	shalt  }
0x5d: {  	_ =	shalt  }
0x5e: {  	_ =	shalt  }
0x5f: {  	_ =	shalt  }
0x60: {  	_ =	shalt  }
0x61: {  	_ =	shalt  }
0x62: {  	_ =	shalt  }
0x63: {  	_ =	shalt  }
0x64: {  	_ =	shalt  }
0x65: {  	_ =	shalt  }
0x66: {  	_ =	shalt  }
0x67: {  	_ =	shalt  }
0x68: {  	_ =	shalt  }
0x69: {  	_ =	shalt  }
0x6a: {  	_ =	shalt  }
0x6b: {  	_ =	shalt  }
0x6c: {  	_ =	shalt  }
0x6d: {  	_ =	shalt  }
0x6e: {  	_ =	shalt  }
0x6f: {  	_ =	shalt  }
0x70: {  	_ =	shalt  }
0x71: {  	_ =	shalt  }
0x72: {  	_ =	shalt  }
0x73: {  	_ =	shalt  }
0x74: {  	_ =	shalt  }
0x75: {  	_ =	shalt  }
0x76: {  	_ =	shalt  }
0x77: {  	_ =	shalt  }
0x78: {  	_ =	shalt  }
0x79: {  	_ =	shalt  }
0x7a: {  	_ =	shalt  }
0x7b: {  	_ =	shalt  }
0x7c: {  	_ =	shalt  }
0x7d: {  	_ =	shalt  }
0x7e: {  	_ =	shalt  }
0x7f: {  	_ =	shalt  }
0x80: {  	_ =	shalt  }
0x81: {  	_ =	shalt  }
0x82: {  	_ =	shalt  }
0x83: {  	_ =	shalt  }
0x84: {  	_ =	shalt  }
0x85: {  	_ =	shalt  }
0x86: {  	_ =	shalt  }
0x87: {  	_ =	shalt  }
.Lfunc_end0:
.L_simem_size_0:
called_computation_lowered:
.L_overlay_start_0:
0x88: {  	s2 =	sld [smem:$0x3FD9]  }
0x89: {  	s3 =	sld [smem:$0x3FFE];
	_ =	sdelay $0x1  }
0x8a: {  	s1 =	srdreg.scid  }
0x8b: {  	s0 =	sand.u32 $0x1, s1  }
0x8c: {  	s17 =	sshll.u32 s0, $0xA;
	s2 =	sadd.s32 s3, s2  }
0x8d: {  	s2 =	sadd.s32 s2, s17  }
0x8e: {  	[smem:$0x3FC3] =	sst s2  }
0x8f: {  	_ = 	snop  }
0x90: {  	s2 =	sld [smem:$0x3FC9]  }
0x91: {  	s18 =	sld [smem:$0x3FD0];
	(tm) =	ssettm $0x1  }
0x92: {  	s4 =	sld [smem:$0x3FFB];
	_ =	sdelay $0x3  }
0x93: {  	_ =	strace s4  }
0x94: {  	s4 =	sld [smem:$0x3FFC];
	_ =	sdelay $0x3  }
0x95: {  	_ =	strace s4  }
0x96: {  	s4 =	sld [smem:$0x3FFD];
	_ =	sdelay $0x3  }
0x97: {  	_ =	strace s4  }
0x98: {  	_ =	strace $0x8FFFFFFF  }
0x99: {  	s19 =	sld [smem:$0x3FDB];
	_ =	sdelay $0x1  }
0x9a: {  	s5 =	simm.s32 $_scs_section_size  }
0x9b: {  	s6 =	simm.s32 $_size__tile_overlayer_lowered;
	s7 =	simm.s32 $_tile_overlayer_lowered  }
0x9c: {  	s22 =	simm.s32 $0x1BFF;
	s21 =	sshll.u32 s7, $0x1;
	s4 =	sadd.s32 s5, s19  }
0x9d: {  	s8 =	simm.s32 $0x0;
	s20 =	sshll.u32 s6, $0x1;
	s6 =	sadd.s32 s21, s4  }
0x9e: {  	[timem:s8], [sflag:s22] =	dma.local [hbm:s6], s20  }
0x9f: {  	_ =	swait.ge [sflag:s22], s20  }
0xa0: {  	s5 =	ssub.s32 $0x0, s20;
	[sflag:s22] =	ssyncset.done $0x0  }
0xa1: {  	[sflag:s22] =	ssyncadd.s32 s5;
	_ =	sdelay $0x1  }
0xa2: {  	s23 =	simm.s32 $0x1B8B  }
0xa3: {  	_ =	swait.ge [sflag:s23], $0x1  }
0xa4: {  	[sflag:s23] =	ssyncset.done $0x0  }
0xa5: {  	s25 =	simm.s32 $0x1B8E;
	s24 =	sld [smem:$0x3FFE];
	[sflag:s23] =	ssyncadd.s32 $0xFFFFFFFF  }
0xa6: {  	s26 =	simm.s32 $execute0_lowered;
	[smem:$0x3FD2] =	sst s25  }
0xa7: {  	s6 =	sshll.u32 s26, $0x1;
	_ =	strace $0x80000046;
	[dreg:$0x1] =	wrdreg $0xFFFFFFFF  }
0xa8: {  	s28 =	simm.s32 $_size_execute0_lowered;
	s4 =	sadd.s32 s4, s6;
	[dreg:$0x0] =	wrdreg $0x0  }
0xa9: {  	s6 =	sshll.u32 s28, $0x1;
	[dreg:$0x2] =	wrdreg s4  }
0xaa: {  	[dreg:$0x3] =	wrdreg s6  }
0xab: {  	[dreg:$0x4] =	wrdreg $0xC0  }
0xac: {  	_ =	task [dreg:s8], $0x5FFFF  }
0xad: {  	[dreg:$0x1] =	wrdreg $0xFFFFFFFF  }
0xae: {  	[dreg:$0x0] =	wrdreg $0x60  }
0xaf: {  	[dreg:$0x2] =	wrdreg s2  }
0xb0: {  	[dreg:$0x3] =	wrdreg s24  }
0xb1: {  	[dreg:$0x4] =	wrdreg s18  }
0xb2: {  	[dreg:$0x5] =	wrdreg $0x9  }
0xb3: {  	_ =	task.clear_ibuf [dreg:s8], $0x6FFFF;
	_ =	strace $0x90000046  }
0xb4: {  	s29 =	simm.s32 $0x9;
	_ =	strace $0x80000048  }
0xb5: {  	_ =	swait.ge [sflag:s29], $0x1  }
0xb6: {  	[sflag:s29] =	ssyncadd.s32 $0xFFFFFFFF  }
0xb7: {  	_ =	strace $0x90000048  }
0xb8: {  	_ =	sfence  }
0xb9: {  	s30 =	sld [smem:$0x0];
	_ =	sdelay $0x2  }
0xba: {  	s31 =	sshll.u32 s1, $0xD;
	s1 =	sshrl.u32 s1, $0x2  }
0xbb: {  	s3 =	sand.u32 $0x4000, s31;
	s1 =	sadd.s32 s1, s30  }
0xbc: {  	s0 =	sor.u32 s3, s0;
	s1 =	sshll.u32 s1, $0x11  }
0xbd: {  	s0 =	sor.u32 s1, s0  }
0xbe: {  	s0 =	sadd.s32 $0x8F2B, s0  }
0xbf: {  	[sflag:s0] =	ssyncadd.remote.s32 $0x1  }
0xc0: {  	_ =	sfence.sel $0xFFFF  }
0xc1: {  	[dreg:$0x0] =	wrdreg $0xFFFFFFFF;
	(pc) =	sbr.abs _section_cstart, $3  }
0xc2: {  	[dreg:$0x1] =	wrdreg $0xFFFFFFFF  }
0xc3: {  	_ =	task.clear_ibuf [dreg:s8], $0x2FFFF;
	_ =	strace $0x9FFFFFFF  }
0xc4: {  	(tm) =	ssettm $0x7FFFFFFF  }
0xc5: {  	_ =	shalt  }
tec
execute0_lowered:
.L_overlay_start_1:
0x0: {  	(tag) =	ssettag $0x1  }
0x1: {  	v0 =	vimm.s32 $0x23222120;
	v1 =	vimm.s32 $0x27262524;
	v2 =	vimm.s32 $0x76543210  }
0x2: {  	vm0 =	vcmask $0x1F10;
	v3 =	vimm.s32 $0x67666564;
	v4 =	vimm.s32 $0x43424140  }
0x3: {  	v5 =	vimm.s32 $0x47464544;
	v6 =	vimm.s32 $0xFEDCBA98;
	v7 =	vimm.s32 $0x2B2A2928  }
0x4: {  	v8 =	vimm.s32 $0x2F2E2D2C;
	v9 =	vimm.s32 $0x73727170;
	v10 =	vimm.s32 $0x77767574  }
0x5: {  	v11 =	vimm.s32 $0x53525150;
	v12 =	vimm.s32 $0x57565554;
	v59 =	vimm.s32 $0x3F3E3D3C  }
0x6: {  	v60 =	vimm.s32 $0x1B1A1918;
	v61 =	vimm.s32 $0x1F1E1D1C;
	v62 =	vimm.s32 $0x7B7A7978  }
0x7: {  	v13 =	vimm.s32 $0x7F7E7D7C;
	v14 =	vimm.s32 $0x5B5A5958;
	v15 =	vimm.s32 $0x5F5E5D5C  }
0x8: {  	v0 =	vunpack.c.0.s8.s32 v0;
	v1 =	vunpack.c.0.s8.s32 v1;
	v2 =	vunpack.c.l.s4.s8 v2  }
0x9: {  	v3 =	vunpack.c.0.s8.s32 v3;
	v4 =	vunpack.c.0.s8.s32 v4;
	v5 =	vunpack.c.0.s8.s32 v5  }
0xa: {  	v6 =	vunpack.c.l.s4.s8 v6;
	v9 =	vunpack.c.0.s8.s32 v9;
	v10 =	vunpack.c.0.s8.s32 v10  }
0xb: {  	v11 =	vunpack.c.0.s8.s32 v11;
	v12 =	vunpack.c.0.s8.s32 v12;
	v2 =	vunpack.c.0.s8.s32 v2  }
0xc: {  	v13 =	vunpack.c.0.s8.s32 v13;
	v0 =	vsel vm0, v1, v0;
	v1 =	vimm.s32 $0x63626160  }
0xd: {  	v14 =	vunpack.c.0.s8.s32 v14;
	v1 =	vunpack.c.0.s8.s32 v1;
	v0 =	vcombine.low v2, v0  }
0xe: {  	v2 =	vunpack.c.0.s8.s32 v7;
	v7 =	vunpack.c.0.s8.s32 v8;
	v8 =	vimm.s32 $0x17161514  }
0xf: {  	v1 =	vsel vm0, v3, v1;
	v3 =	vsel vm0, v5, v4;
	v4 =	vunpack.c.0.s8.s32 v6  }
0x10: {  	s0 =	rddreg [dreg:$0x0];
	s1 =	srdreg.scid;
	v5 =	vimm.s32 $0x6F6E6D6C;
	v6 =	vimm.s32 $0x4B4A4948;
	v1 =	vcombine.low v3, v1  }
0x11: {  	s2 =	rddreg [dreg:$0x1];
	s3 =	stileid.u32;
	v2 =	vsel vm0, v7, v2;
	v3 =	vimm.s32 $0x6B6A6968;
	v5 =	vunpack.c.0.s8.s32 v5  }
0x12: {  	s5 =	rddreg [dreg:$0x2];
	s13 =	simm.s32 $0x1280;
	s14 =	simm.s32 $0x1;
	v7 =	vimm.s32 $0x4F4E4D4C;
	v4 =	vand.u32 $0xF, v4;
	v3 =	vunpack.c.0.s8.s32 v3  }
0x13: {  	s15 =	simm.s32 $0x80;
	s16 =	simm.s32 $0x100;
	s17 =	simm.s32 $0x180;
	v2 =	vcombine.low v4, v2;
	v4 =	vunpack.c.0.s8.s32 v6;
	v6 =	vunpack.c.0.s8.s32 v7  }
0x14: {  	s18 =	simm.s32 $0x200;
	s19 =	simm.s32 $0x2280;
	s20 =	simm.s32 $0x2;
	v7 =	vimm.s32 $0x37363534;
	v3 =	vsel vm0, v5, v3;
	v5 =	vimm.s32 $0x33323130  }
0x15: {  	s21 =	simm.s32 $0xA280;
	s22 =	simm.s32 $0x3;
	s23 =	simm.s32 $0x4;
	v4 =	vsel vm0, v6, v4;
	v5 =	vunpack.c.0.s8.s32 v5;
	v6 =	vunpack.c.0.s8.s32 v7  }
0x16: {  	s1 =	sand.u32 $0x1, s1;
	s4 =	sshll.u32 s3, $0x11;
	s3 =	simm.s32 $0x0;
	v15 =	vunpack.c.0.s8.s32 v15;
	v8 =	vunpack.c.0.s8.s32 v8;
	v7 =	vimm.s32 $0x13121110  }
0x17: {  	s2 =	sadd.s32 $0xA00, s2;
	s6 =	sshll.u32 s1, $0x10;
	[smem:$0x7FF] =	sst s3;
	v7 =	vunpack.c.0.s8.s32 v7;
	v3 =	vcombine.low v4, v3;
	v4 =	vsel vm0, v6, v5  }
0x18: {  	s1 =	ssub.s32 $0x2, s1;
	s6 =	sor.u32 s6, s4;
	_ =	strace $0x80000047;
	v6 =	vsel vm0, v10, v9;
	v9 =	vunpack.c.0.s8.s32 v59;
	v10 =	vunpack.c.0.s8.s32 v60  }
.Ltmp0:
0x19: {  	s7 =	sshrl.u32 s1, $0x1;
	s4 =	sshrl.u32 s6, $0x3;
	v5 =	vsel vm0, v8, v7;
	v7 =	vsel vm0, v12, v11;
	v8 =	vimm.s32 $0x3B3A3938;
	(pc) =	sbr.rel .LBB2_1-.Ltmp0, $4  }
0x1a: {  	[dreg:$0x5] =	wrdreg s2;
	s1 =	ssub.s32 s1, s7;
	s4 =	sadd.s32 s0, s4;
	v11 =	vunpack.c.0.s8.s32 v61;
	v12 =	vunpack.c.0.s8.s32 v62;
	v8 =	vunpack.c.0.s8.s32 v8  }
0x1b: {  	s24 =	simm.s32 $0x0;
	v63 =	vsel vm0, v15, v14;
	s1 =	smax.u32 s1, $0x1;
	[dreg:$0x4] =	wrdreg s4;
	v4 =	vcombine.low v5, v4;
	v5 =	vcombine.low v7, v6  }
0x1c: {  	s7 =	sadd.s32 s5, s6;
	s31 =	sadd.s32 $0x200, s4;
	[dreg:$0x7] =	wrdreg s1;
	v7 =	vsel vm0, v11, v10;
	v6 =	vsel vm0, v9, v8;
	v8 =	vsel vm0, v13, v12  }
0x1d: {  	s8 =	sor.u32 $0x2000, s6;
	s9 =	sor.u32 $0x3000, s6;
	[dreg:$0x6] =	wrdreg s31;
	v6 =	vcombine.low v7, v6;
	v7 =	vcombine.low v63, v8  }
.LBB2_8:
0x1e: {  	_ =	swait.ge [sflag:s22], $0x8000  }
0x1f: {  	[sflag:s22] =	ssyncset.done $0x0  }
0x20: {  	[sflag:s22] =	ssyncadd.s32 $0xFFFF8000  }
0x21: {  	_ =	swait.ge [sflag:s23], $0x8000  }
0x22: {  	s24 =	sadd.s32 $0x1, s24;
	s1 =	rddreg [dreg:$0x7]  }
0x23: {  	p0 =	sne.s32 s24, s1  }
.Ltmp1:
0x24: {  	_ = 	snop;
	(pc) =	sbr.rel @!p0 .LBB2_9-.Ltmp1, $3  }
0x25: {  	_ =	sdelay $0x1  }
0x26: {  	[sflag:s23] =	ssyncset.done $0x0  }
0x27: {  	[sflag:s23] =	ssyncadd.s32 $0xFFFF8000  }
.LBB2_1:
0x28: {  	s1 =	rddreg [dreg:$0x5];
	s29 =	simm.s32 $0x5  }
0x29: {  	[tilespmem:s3], [sflag:$0x5] =	stream.linear.gather [hbm4b:s1+s3], $0x80, $0x38;
	[tilespmem:$0x12280] =	vst v63  }
0x2a: {  	_ =	swait.ge [sflag:s29], $0x80  }
0x2b: {  	[sflag:s29] =	ssyncset.done $0x0  }
0x2c: {  	[sflag:s29] =	ssyncadd.s32 $0xFFFFFF80  }
0x2d: {  	v8 =	vld.idx.msk [tilespmem:v0+s3+$0x0], $0xffff;
	_ =	sdelay $0x4  }
0x2e: {  	[tilespmem:$0x80] =	vst v8  }
0x2f: {  	v8 =	vld.idx.msk [tilespmem:v1+s3+$0x0], $0xffff;
	_ =	sdelay $0x4  }
0x30: {  	[tilespmem:$0x90] =	vst v8  }
0x31: {  	v8 =	vld.idx.msk [tilespmem:v2+s3+$0x0], $0xffff;
	_ =	sdelay $0x4  }
0x32: {  	[tilespmem:$0x100] =	vst v8  }
0x33: {  	v8 =	vld.idx.msk [tilespmem:v3+s3+$0x0], $0xffff;
	_ =	sdelay $0x4  }
0x34: {  	[tilespmem:$0x110] =	vst v8  }
0x35: {  	v8 =	vld.idx.msk [tilespmem:v4+s3+$0x0], $0xffff;
	_ =	sdelay $0x4  }
0x36: {  	[tilespmem:$0x180] =	vst v8  }
0x37: {  	v8 =	vld.idx.msk [tilespmem:v5+s3+$0x0], $0xffff;
	_ =	sdelay $0x4  }
0x38: {  	[tilespmem:$0x190] =	vst v8  }
0x39: {  	v8 =	vld.idx.msk [tilespmem:v6+s3+$0x0], $0xffff;
	_ =	sdelay $0x4  }
0x3a: {  	[tilespmem:$0x200] =	vst v8  }
0x3b: {  	v8 =	vld.idx.msk [tilespmem:v7+s3+$0x0], $0xffff;
	_ =	sdelay $0x4  }
0x3c: {  	s2 =	simm.s32 $0x280;
	s30 =	rddreg [dreg:$0x4];
	[tilespmem:$0x210] =	vst v8  }
0x3d: {  	[tilespmem:s2], [sflag:$0x1] =	stream.linear.gather [hbm4b:s30+s3], $0x1000, $0x38;
	[tilespmem:$0x12280] =	vst v63  }
0x3e: {  	s25 =	simm.s32 $0x0;
	s31 =	rddreg [dreg:$0x6]  }
0x3f: {  	[tilespmem:s13], [sflag:$0x2] =	stream.linear.gather [hbm4b:s31+s3], $0x1000, $0x38;
	[tilespmem:$0x12280] =	vst v63  }
.LBB2_2:
0x40: {  	_ =	swait.ge [sflag:s14], $0x1000  }
0x41: {  	p0 =	seq.s32 s25, $0x0;
	[sflag:s14] =	ssyncset.done $0x0  }
0x42: {  	s1 =	simm.s32 @!p0 $0x3;
	[sflag:s14] =	ssyncadd.s32 $0xFFFFF000  }
0x43: {  	_ =	swait.ge @!p0 [sflag:s1], $0x8000  }
0x44: {  	[sflag:s1] =	ssyncset.done @!p0 $0x0  }
0x45: {  	s10 =	simm.s32 $0x290;
	[sflag:s1] =	ssyncadd.s32 @!p0 $0xFFFF8000  }
0x46: {  	v8 =	vld [tilespmem:s10+$0x0];
	_ =	sdelay $0x4  }
0x47: {  	v8 =	vmul.f32 $4.000000000e+00, v8;
	_ =	sdelay $0x1  }
0x48: {  	v9 =	vtrunc.f32 v8  }
0x49: {  	v9 =	vcvt.f32.s32 v9;
	_ =	sdelay $0x1  }
0x4a: {  	v10 =	vld [tilespmem:s10+$0xFFFFFFF0];
	vm0 =	vlt.s32 v9, $0x3  }
0x4b: {  	v9 =	vnsel vm0, $0x3, v9  }
0x4c: {  	v15 =	vshll.u32 v9, $0x3;
	_ =	sdelay $0x2  }
0x4d: {  	v10 =	vmul.f32 $4.000000000e+00, v10;
	_ =	sdelay $0x1  }
0x4e: {  	v11 =	vtrunc.f32 v10;
	v12 =	vld.idx.msk [tilespmem:v15+s16+$0x0], $0xffff  }
0x4f: {  	v11 =	vcvt.f32.s32 v11;
	v9 =	vcvt.s32.f32 v9;
	v13 =	vld.idx.msk [tilespmem:v15+s15+$0x0], $0xffff  }
0x50: {  	v16 =	vld.idx.msk [tilespmem:v15+s17+$0x0], $0xffff  }
0x51: {  	vm11 =	vlt.s32 v11, $0x3;
	v25 =	vsub.f32 v8, v9  }
0x52: {  	v8 =	vnsel vm11, $0x3, v11;
	v9 =	vld.idx.msk [tilespmem:v15+s18+$0x0], $0xffff  }
0x53: {  	v14 =	vshll.u32 v8, $0x3;
	v24 =	vmul.f32 v25, v25;
	v11 =	vmul.f32 v25, v12;
	_ =	sdelay $0x1  }
0x54: {  	v21 =	vmul.f32 v24, v25;
	v12 =	vmul.f32 v24, v16;
	v11 =	vadd.f32 v11, v13;
	_ =	sdelay $0x1  }
0x55: {  	s11 =	simm.s32 $0x0;
	v9 =	vmul.f32 v21, v9;
	v11 =	vadd.f32 v12, v11;
	v12 =	vor.u32 $0x1, v15  }
0x56: {  	s2 =	simm.s32 $0x10;
	s1 =	sand.u32 $0x7C00, s11;
	v13 =	vld.idx.msk [tilespmem:v14+s16+$0x0], $0xffff  }
0x57: {  	s2 =	sand.u32 $0x70, s2;
	s1 =	sadd.s32 $0x2280, s1;
	v8 =	vcvt.s32.f32 v8;
	v16 =	vld.idx.msk [tilespmem:v14+s15+$0x0], $0xffff;
	v9 =	vadd.f32 v9, v11  }
0x58: {  	s2 =	sor.u32 s2, s1;
	v11 =	vld.idx.msk [tilespmem:v14+s17+$0x0], $0xffff  }
0x59: {  	v23 =	vsub.f32 v10, v8;
	v10 =	vld.idx.msk [tilespmem:v14+s18+$0x0], $0xffff;
	[tilespmem:s2+$0x0] =	vst v9  }
0x5a: {  	v17 =	vld.idx.msk [tilespmem:v12+s16+$0x0], $0xffff  }
0x5b: {  	v8 =	vmul.f32 v23, v23;
	v13 =	vmul.f32 v23, v13;
	v18 =	vld.idx.msk [tilespmem:v12+s15+$0x0], $0xffff  }
0x5c: {  	v19 =	vld.idx.msk [tilespmem:v12+s17+$0x0], $0xffff  }
0x5d: {  	v9 =	vmul.f32 v8, v23;
	v13 =	vadd.f32 v13, v16;
	v11 =	vmul.f32 v8, v11  }
0x5e: {  	v16 =	vor.u32 $0x1, v14;
	v12 =	vld.idx.msk [tilespmem:v12+s18+$0x0], $0xffff  }
0x5f: {  	v10 =	vmul.f32 v9, v10;
	v11 =	vadd.f32 v11, v13;
	v13 =	vmul.f32 v17, v25  }
0x60: {  	s5 =	simm.s32 $0x0  }
0x61: {  	s5 =	sand.u32 $0x60, s5;
	v10 =	vadd.f32 v10, v11;
	v11 =	vadd.f32 v13, v18;
	v13 =	vmul.f32 v19, v24  }
0x62: {  	s28 =	sor.u32 s5, s1  }
0x63: {  	[tilespmem:s28+$0x0] =	vst v10;
	v10 =	vadd.f32 v13, v11;
	v11 =	vmul.f32 v12, v21;
	v12 =	vor.u32 $0x2, v15  }
0x64: {  	v13 =	vld.idx.msk [tilespmem:v16+s16+$0x0], $0xffff  }
0x65: {  	v17 =	vld.idx.msk [tilespmem:v16+s15+$0x0], $0xffff;
	v10 =	vadd.f32 v11, v10  }
0x66: {  	v11 =	vld.idx.msk [tilespmem:v16+s17+$0x0], $0xffff  }
0x67: {  	v16 =	vld.idx.msk [tilespmem:v16+s18+$0x0], $0xffff;
	[tilespmem:s2+$0x80] =	vst v10  }
0x68: {  	v10 =	vld.idx.msk [tilespmem:v12+s16+$0x0], $0xffff  }
0x69: {  	v13 =	vmul.f32 v13, v23;
	v18 =	vld.idx.msk [tilespmem:v12+s15+$0x0], $0xffff  }
0x6a: {  	v19 =	vld.idx.msk [tilespmem:v12+s17+$0x0], $0xffff  }
0x6b: {  	v13 =	vadd.f32 v13, v17;
	v11 =	vmul.f32 v11, v8  }
0x6c: {  	v12 =	vld.idx.msk [tilespmem:v12+s18+$0x0], $0xffff;
	v17 =	vor.u32 $0x2, v14  }
0x6d: {  	v11 =	vadd.f32 v11, v13;
	v13 =	vmul.f32 v16, v9;
	v10 =	vmul.f32 v10, v25;
	_ =	sdelay $0x1  }
0x6e: {  	v11 =	vadd.f32 v13, v11;
	v13 =	vmul.f32 v19, v24;
	v10 =	vadd.f32 v10, v18;
	_ =	sdelay $0x1  }
0x6f: {  	[tilespmem:s28+$0x80] =	vst v11;
	v11 =	vmul.f32 v12, v21;
	v12 =	vor.u32 $0x3, v15;
	v10 =	vadd.f32 v13, v10  }
0x70: {  	v13 =	vld.idx.msk [tilespmem:v17+s16+$0x0], $0xffff  }
0x71: {  	v16 =	vld.idx.msk [tilespmem:v17+s15+$0x0], $0xffff;
	v10 =	vadd.f32 v11, v10  }
0x72: {  	v11 =	vld.idx.msk [tilespmem:v17+s17+$0x0], $0xffff  }
0x73: {  	v17 =	vld.idx.msk [tilespmem:v17+s18+$0x0], $0xffff;
	[tilespmem:s2+$0x100] =	vst v10  }
0x74: {  	v10 =	vld.idx.msk [tilespmem:v12+s16+$0x0], $0xffff  }
0x75: {  	v18 =	vld.idx.msk [tilespmem:v12+s15+$0x0], $0xffff  }
0x76: {  	s12 =	simm.s32 $0x2B0;
	v13 =	vmul.f32 v13, v23;
	v19 =	vld.idx.msk [tilespmem:v12+s17+$0x0], $0xffff  }
0x77: {  	v20 =	vld [tilespmem:s12+$0x0]  }
0x78: {  	v12 =	vld.idx.msk [tilespmem:v12+s18+$0x0], $0xffff;
	v13 =	vadd.f32 v13, v16;
	v11 =	vmul.f32 v11, v8  }
0x79: {  	v10 =	vmul.f32 v10, v25  }
0x7a: {  	v16 =	vld [tilespmem:s12+$0xFFFFFFF0];
	v17 =	vmul.f32 v17, v9;
	v11 =	vadd.f32 v11, v13  }
0x7b: {  	v13 =	vor.u32 $0x3, v14;
	v10 =	vadd.f32 v10, v18;
	v18 =	vmul.f32 v19, v24  }
0x7c: {  	v11 =	vadd.f32 v17, v11;
	v17 =	vmul.f32 $4.000000000e+00, v20  }
0x7d: {  	v12 =	vmul.f32 v12, v21;
	v10 =	vadd.f32 v18, v10;
	v18 =	vor.u32 $0x4, v15  }
0x7e: {  	v19 =	vtrunc.f32 v17  }
0x7f: {  	v16 =	vmul.f32 $4.000000000e+00, v16;
	[tilespmem:s28+$0x100] =	vst v11;
	v11 =	vcvt.f32.s32 v19;
	v10 =	vadd.f32 v12, v10  }
0x80: {  	v19 =	vld.idx.msk [tilespmem:v13+s15+$0x0], $0xffff  }
0x81: {  	v20 =	vtrunc.f32 v16;
	v30 =	vld.idx.msk [tilespmem:v13+s17+$0x0], $0xffff;
	vm12 =	vlt.s32 v11, $0x3;
	[tilespmem:s2+$0x180] =	vst v10  }
0x82: {  	v11 =	vnsel vm12, $0x3, v11;
	v10 =	vcvt.f32.s32 v20;
	v20 =	vld.idx.msk [tilespmem:v18+s16+$0x0], $0xffff  }
0x83: {  	v27 =	vshll.u32 v11, $0x3;
	v22 =	vld.idx.msk [tilespmem:v18+s15+$0x0], $0xffff  }
0x84: {  	v28 =	vld.idx.msk [tilespmem:v18+s17+$0x0], $0xffff  }
0x85: {  	v12 =	vld.idx.msk [tilespmem:v13+s16+$0x0], $0xffff;
	vm13 =	vlt.s32 v10, $0x3  }
0x86: {  	v18 =	vld.idx.msk [tilespmem:v18+s18+$0x0], $0xffff;
	v10 =	vnsel vm13, $0x3, v10  }
0x87: {  	v13 =	vld.idx.msk [tilespmem:v13+s18+$0x0], $0xffff;
	v26 =	vshll.u32 v10, $0x3;
	v20 =	vmul.f32 v20, v25  }
0x88: {  	v11 =	vcvt.s32.f32 v11;
	v31 =	vld.idx.msk [tilespmem:v27+s16+$0x0], $0xffff  }
0x89: {  	v32 =	vld.idx.msk [tilespmem:v27+s15+$0x0], $0xffff;
	v20 =	vadd.f32 v20, v22;
	v22 =	vmul.f32 v28, v24  }
0x8a: {  	v35 =	vor.u32 $0x4, v14;
	v29 =	vsub.f32 v17, v11;
	v12 =	vmul.f32 v12, v23;
	v33 =	vld.idx.msk [tilespmem:v27+s17+$0x0], $0xffff  }
0x8b: {  	v17 =	vld.idx.msk [tilespmem:v27+s18+$0x0], $0xffff;
	v18 =	vmul.f32 v18, v21;
	v20 =	vadd.f32 v22, v20;
	v22 =	vor.u32 $0x5, v15  }
0x8c: {  	v11 =	vadd.f32 v12, v19;
	v12 =	vmul.f32 v30, v8;
	v28 =	vmul.f32 v29, v29;
	v34 =	vld.idx.msk [tilespmem:v26+s16+$0x0], $0xffff  }
0x8d: {  	v10 =	vcvt.s32.f32 v10;
	v19 =	vld.idx.msk [tilespmem:v26+s15+$0x0], $0xffff;
	v30 =	vmul.f32 v29, v31;
	v18 =	vadd.f32 v18, v20  }
0x8e: {  	v12 =	vadd.f32 v12, v11;
	v36 =	vld.idx.msk [tilespmem:v26+s18+$0x0], $0xffff;
	v31 =	vmul.f32 v13, v9;
	v11 =	vmul.f32 v28, v29  }
0x8f: {  	v20 =	vld.idx.msk [tilespmem:v26+s17+$0x0], $0xffff;
	[tilespmem:s2+$0x200] =	vst v18;
	v18 =	vadd.f32 v30, v32;
	v30 =	vmul.f32 v28, v33  }
0x90: {  	v13 =	vsub.f32 v16, v10;
	v12 =	vadd.f32 v31, v12;
	v16 =	vld.idx.msk [tilespmem:v22+s16+$0x0], $0xffff  }
0x91: {  	s26 =	simm.s32 $0x100;
	v17 =	vmul.f32 v11, v17;
	v31 =	vld.idx.msk [tilespmem:v22+s15+$0x0], $0xffff;
	v18 =	vadd.f32 v30, v18;
	v30 =	vor.u32 $0x1, v27  }
0x92: {  	s4 =	simm.s32 $0x30;
	s1 =	sand.u32 $0x7C00, s26;
	v10 =	vmul.f32 v13, v13;
	[tilespmem:s28+$0x180] =	vst v12;
	v63 =	vld.idx.msk [tilespmem:v22+s17+$0x0], $0xffff  }
0x93: {  	s5 =	sand.u32 $0x70, s4;
	s1 =	sadd.s32 $0x2280, s1;
	v40 =	vmul.f32 v13, v34;
	v41 =	vld.idx.msk [tilespmem:v35+s16+$0x0], $0xffff;
	v17 =	vadd.f32 v17, v18  }
0x94: {  	s29 =	sor.u32 s5, s1;
	v12 =	vmul.f32 v10, v13;
	v37 =	vld.idx.msk [tilespmem:v35+s17+$0x0], $0xffff  }
0x95: {  	v19 =	vadd.f32 v40, v19;
	v20 =	vmul.f32 v10, v20;
	v18 =	vld.idx.msk [tilespmem:v22+s18+$0x0], $0xffff;
	[tilespmem:s29+$0x0] =	vst v17  }
0x96: {  	v42 =	vor.u32 $0x1, v26;
	v17 =	vld.idx.msk [tilespmem:v30+s16+$0x0], $0xffff  }
0x97: {  	v36 =	vmul.f32 v12, v36;
	v19 =	vadd.f32 v20, v19;
	v16 =	vmul.f32 v16, v25;
	v20 =	vld.idx.msk [tilespmem:v30+s15+$0x0], $0xffff  }
0x98: {  	s6 =	simm.s32 $0x20;
	v43 =	vld.idx.msk [tilespmem:v30+s17+$0x0], $0xffff  }
0x99: {  	s5 =	sand.u32 $0x60, s6;
	v22 =	vld.idx.msk [tilespmem:v35+s15+$0x0], $0xffff;
	v19 =	vadd.f32 v36, v19;
	v16 =	vadd.f32 v16, v31;
	v31 =	vmul.f32 v63, v24  }
0x9a: {  	s30 =	sor.u32 s5, s1;
	v30 =	vld.idx.msk [tilespmem:v30+s18+$0x0], $0xffff;
	v18 =	vmul.f32 v18, v21  }
0x9b: {  	[tilespmem:s30+$0x0] =	vst v19;
	v19 =	vld.idx.msk [tilespmem:v35+s18+$0x0], $0xffff;
	v16 =	vadd.f32 v31, v16;
	v31 =	vor.u32 $0x6, v15;
	v17 =	vmul.f32 v17, v29  }
0x9c: {  	v44 =	vld.idx.msk [tilespmem:v42+s16+$0x0], $0xffff  }
0x9d: {  	v46 =	vld.idx.msk [tilespmem:v42+s17+$0x0], $0xffff;
	v16 =	vadd.f32 v18, v16;
	v17 =	vadd.f32 v17, v20;
	v20 =	vmul.f32 v43, v28  }
0x9e: {  	v45 =	vmul.f32 v41, v23;
	v50 =	vld.idx.msk [tilespmem:v42+s18+$0x0], $0xffff  }
0x9f: {  	v18 =	vld.idx.msk [tilespmem:v42+s15+$0x0], $0xffff;
	[tilespmem:s2+$0x280] =	vst v16;
	v17 =	vadd.f32 v20, v17;
	v20 =	vmul.f32 v30, v11;
	v30 =	vor.u32 $0x2, v27  }
0xa0: {  	v47 =	vmul.f32 v37, v8;
	v22 =	vadd.f32 v45, v22;
	v16 =	vld.idx.msk [tilespmem:v31+s16+$0x0], $0xffff  }
0xa1: {  	v48 =	vld.idx.msk [tilespmem:v31+s15+$0x0], $0xffff;
	v17 =	vadd.f32 v20, v17  }
0xa2: {  	v22 =	vadd.f32 v47, v22;
	v19 =	vmul.f32 v19, v9;
	v49 =	vld.idx.msk [tilespmem:v31+s17+$0x0], $0xffff  }
0xa3: {  	v31 =	vld.idx.msk [tilespmem:v31+s18+$0x0], $0xffff;
	[tilespmem:s29+$0x80] =	vst v17  }
0xa4: {  	v51 =	vmul.f32 v44, v13;
	v20 =	vor.u32 $0x5, v14;
	v17 =	vadd.f32 v19, v22;
	v19 =	vld.idx.msk [tilespmem:v30+s16+$0x0], $0xffff  }
0xa5: {  	v16 =	vmul.f32 v16, v25;
	v52 =	vld.idx.msk [tilespmem:v30+s15+$0x0], $0xffff  }
0xa6: {  	v18 =	vadd.f32 v51, v18;
	v22 =	vmul.f32 v46, v10;
	v53 =	vld.idx.msk [tilespmem:v30+s17+$0x0], $0xffff  }
0xa7: {  	v30 =	vld.idx.msk [tilespmem:v30+s18+$0x0], $0xffff;
	v16 =	vadd.f32 v16, v48  }
0xa8: {  	[tilespmem:s28+$0x200] =	vst v17;
	v17 =	vmul.f32 v49, v24;
	v18 =	vadd.f32 v22, v18;
	v22 =	vmul.f32 v50, v12  }
0xa9: {  	v54 =	vor.u32 $0x2, v26;
	v55 =	vld.idx.msk [tilespmem:v20+s16+$0x0], $0xffff  }
0xaa: {  	v16 =	vadd.f32 v17, v16;
	v17 =	vmul.f32 v31, v21;
	v18 =	vadd.f32 v22, v18;
	v22 =	vld.idx.msk [tilespmem:v20+s17+$0x0], $0xffff  }
0xab: {  	v56 =	vld.idx.msk [tilespmem:v20+s15+$0x0], $0xffff;
	v19 =	vmul.f32 v19, v29  }
0xac: {  	v15 =	vor.u32 $0x7, v15;
	v16 =	vadd.f32 v17, v16  }
0xad: {  	[tilespmem:s30+$0x80] =	vst v18;
	v17 =	vld.idx.msk [tilespmem:v20+s18+$0x0], $0xffff;
	v18 =	vadd.f32 v19, v52;
	v19 =	vmul.f32 v53, v28  }
0xae: {  	v20 =	vld.idx.msk [tilespmem:v54+s16+$0x0], $0xffff;
	v57 =	vmul.f32 v55, v23  }
0xaf: {  	v58 =	vld.idx.msk [tilespmem:v54+s15+$0x0], $0xffff;
	[tilespmem:s2+$0x300] =	vst v16;
	v22 =	vmul.f32 v22, v8;
	v16 =	vadd.f32 v19, v18  }
0xb0: {  	v59 =	vld.idx.msk [tilespmem:v54+s18+$0x0], $0xffff;
	v18 =	vmul.f32 v30, v11;
	v19 =	vor.u32 $0x3, v27;
	v32 =	vadd.f32 v57, v56  }
0xb1: {  	v31 =	vld.idx.msk [tilespmem:v15+s16+$0x0], $0xffff  }
0xb2: {  	v33 =	vld.idx.msk [tilespmem:v15+s17+$0x0], $0xffff;
	v17 =	vmul.f32 v17, v9;
	v16 =	vadd.f32 v18, v16;
	v22 =	vadd.f32 v22, v32  }
0xb3: {  	s10 =	simm.s32 $0x2D0;
	v18 =	vld.idx.msk [tilespmem:v54+s17+$0x0], $0xffff  }
0xb4: {  	[tilespmem:s29+$0x100] =	vst v16;
	v17 =	vadd.f32 v17, v22;
	v22 =	vld [tilespmem:s10+$0x0]  }
0xb5: {  	v60 =	vor.u32 $0x6, v14;
	v16 =	vld.idx.msk [tilespmem:v19+s16+$0x0], $0xffff  }
0xb6: {  	v61 =	vld.idx.msk [tilespmem:v19+s15+$0x0], $0xffff  }
0xb7: {  	v20 =	vmul.f32 v20, v13;
	v62 =	vld.idx.msk [tilespmem:v19+s17+$0x0], $0xffff  }
0xb8: {  	v19 =	vld.idx.msk [tilespmem:v19+s18+$0x0], $0xffff  }
0xb9: {  	v20 =	vadd.f32 v20, v58;
	[tilespmem:s28+$0x280] =	vst v17;
	v17 =	vmul.f32 v18, v10;
	v18 =	vld [tilespmem:s10+$0xFFFFFFF0]  }
0xba: {  	v38 =	vld.idx.msk [tilespmem:v60+s16+$0x0], $0xffff;
	v16 =	vmul.f32 v16, v29  }
0xbb: {  	v63 =	vor.u32 $0x3, v26;
	v41 =	vmul.f32 v59, v12;
	v43 =	vld.idx.msk [tilespmem:v60+s17+$0x0], $0xffff;
	v17 =	vadd.f32 v17, v20  }
0xbc: {  	v20 =	vld.idx.msk [tilespmem:v60+s15+$0x0], $0xffff;
	v42 =	vmul.f32 v62, v28;
	v16 =	vadd.f32 v16, v61  }
0xbd: {  	v44 =	vld.idx.msk [tilespmem:v60+s18+$0x0], $0xffff;
	v22 =	vmul.f32 $4.000000000e+00, v22;
	v17 =	vadd.f32 v41, v17  }
0xbe: {  	v45 =	vor.u32 $0x4, v27;
	v34 =	vld.idx.msk [tilespmem:v15+s18+$0x0], $0xffff;
	v19 =	vmul.f32 v19, v11;
	v16 =	vadd.f32 v42, v16  }
0xbf: {  	v30 =	vld.idx.msk [tilespmem:v15+s15+$0x0], $0xffff;
	v15 =	vtrunc.f32 v22;
	[tilespmem:s30+$0x100] =	vst v17;
	v17 =	vmul.f32 v38, v23  }
0xc0: {  	v15 =	vcvt.f32.s32 v15;
	v46 =	vld.idx.msk [tilespmem:v63+s16+$0x0], $0xffff;
	v16 =	vadd.f32 v19, v16  }
0xc1: {  	v18 =	vmul.f32 $4.000000000e+00, v18;
	v40 =	vld.idx.msk [tilespmem:v63+s17+$0x0], $0xffff;
	v17 =	vadd.f32 v17, v20;
	v20 =	vmul.f32 v43, v8  }
0xc2: {  	v14 =	vor.u32 $0x7, v14;
	v32 =	vmul.f32 v44, v9;
	vm14 =	vlt.s32 v15, $0x3;
	v37 =	vld.idx.msk [tilespmem:v63+s18+$0x0], $0xffff;
	[tilespmem:s29+$0x180] =	vst v16  }
0xc3: {  	v39 =	vtrunc.f32 v18;
	v15 =	vnsel vm14, $0x3, v15;
	v20 =	vadd.f32 v20, v17;
	v16 =	vld.idx.msk [tilespmem:v45+s16+$0x0], $0xffff  }
0xc4: {  	v47 =	vcvt.f32.s32 v39;
	v17 =	vshll.u32 v15, $0x3;
	v48 =	vld.idx.msk [tilespmem:v45+s15+$0x0], $0xffff  }
0xc5: {  	v41 =	vld.idx.msk [tilespmem:v45+s17+$0x0], $0xffff;
	v20 =	vadd.f32 v32, v20  }
0xc6: {  	v19 =	vld.idx.msk [tilespmem:v63+s15+$0x0], $0xffff;
	vm15 =	vlt.s32 v47, $0x3  }
0xc7: {  	v42 =	vnsel vm15, $0x3, v47;
	v35 =	vld.idx.msk [tilespmem:v45+s18+$0x0], $0xffff;
	[tilespmem:s28+$0x300] =	vst v20  }
0xc8: {  	v32 =	vshll.u32 v42, $0x3;
	v36 =	vld.idx.msk [tilespmem:v14+s16+$0x0], $0xffff;
	v16 =	vmul.f32 v16, v29  }
0xc9: {  	v20 =	vmul.f32 v46, v13;
	v49 =	vld.idx.msk [tilespmem:v17+s16+$0x0], $0xffff  }
0xca: {  	v43 =	vld.idx.msk [tilespmem:v17+s15+$0x0], $0xffff;
	v50 =	vmul.f32 v41, v28;
	v16 =	vadd.f32 v16, v48  }
0xcb: {  	v53 =	vor.u32 $0x5, v27;
	v15 =	vcvt.s32.f32 v15;
	v51 =	vld.idx.msk [tilespmem:v17+s17+$0x0], $0xffff;
	v19 =	vadd.f32 v20, v19  }
0xcc: {  	v44 =	vld.idx.msk [tilespmem:v17+s18+$0x0], $0xffff;
	v20 =	vmul.f32 v40, v10;
	v35 =	vmul.f32 v35, v11;
	v16 =	vadd.f32 v50, v16  }
0xcd: {  	v15 =	vsub.f32 v22, v15;
	v52 =	vld.idx.msk [tilespmem:v32+s16+$0x0], $0xffff  }
0xce: {  	v54 =	vld.idx.msk [tilespmem:v32+s15+$0x0], $0xffff;
	v19 =	vadd.f32 v20, v19;
	v20 =	vadd.f32 v35, v16  }
0xcf: {  	v22 =	vmul.f32 v37, v12;
	v45 =	vld.idx.msk [tilespmem:v32+s17+$0x0], $0xffff  }
0xd0: {  	v46 =	vld.idx.msk [tilespmem:v32+s18+$0x0], $0xffff;
	v38 =	vmul.f32 v15, v49;
	v35 =	vor.u32 $0x4, v26;
	v16 =	vmul.f32 v15, v15;
	[tilespmem:s29+$0x200] =	vst v20  }
0xd1: {  	v42 =	vcvt.s32.f32 v42;
	v19 =	vadd.f32 v22, v19;
	v56 =	vld.idx.msk [tilespmem:v53+s16+$0x0], $0xffff  }
0xd2: {  	v22 =	vmul.f32 v16, v15;
	v20 =	vadd.f32 v38, v43;
	v55 =	vmul.f32 v16, v51;
	v57 =	vld.idx.msk [tilespmem:v53+s15+$0x0], $0xffff  }
0xd3: {  	v18 =	vsub.f32 v18, v42;
	v60 =	vld.idx.msk [tilespmem:v53+s17+$0x0], $0xffff  }
0xd4: {  	s1 =	simm.s32 $0x200;
	v59 =	vor.u32 $0x1, v17;
	[tilespmem:s30+$0x180] =	vst v19;
	v39 =	vld.idx.msk [tilespmem:v53+s18+$0x0], $0xffff;
	v20 =	vadd.f32 v55, v20;
	v58 =	vmul.f32 v22, v44  }
0xd5: {  	s11 =	sand.u32 $0x7C00, s1;
	s12 =	simm.s32 $0x50;
	v19 =	vmul.f32 v18, v18;
	v41 =	vmul.f32 v18, v52;
	v47 =	vld.idx.msk [tilespmem:v35+s16+$0x0], $0xffff  }
0xd6: {  	s6 =	sadd.s32 $0x2280, s11;
	s26 =	sand.u32 $0x70, s12;
	v62 =	vld.idx.msk [tilespmem:v35+s15+$0x0], $0xffff;
	v38 =	vadd.f32 v58, v20  }
0xd7: {  	s5 =	sor.u32 s26, s6;
	v37 =	vadd.f32 v41, v54;
	v61 =	vmul.f32 v19, v45;
	v63 =	vld.idx.msk [tilespmem:v35+s17+$0x0], $0xffff;
	v20 =	vmul.f32 v19, v18  }
0xd8: {  	v48 =	vor.u32 $0x1, v32;
	v35 =	vld.idx.msk [tilespmem:v35+s18+$0x0], $0xffff;
	[tilespmem:s5+$0x0] =	vst v38  }
0xd9: {  	v37 =	vadd.f32 v61, v37;
	v40 =	vmul.f32 v56, v29;
	v46 =	vmul.f32 v20, v46;
	v52 =	vld.idx.msk [tilespmem:v59+s16+$0x0], $0xffff  }
0xda: {  	s10 =	simm.s32 $0x40;
	v49 =	vld.idx.msk [tilespmem:v59+s15+$0x0], $0xffff  }
0xdb: {  	s10 =	sand.u32 $0x60, s10;
	v53 =	vmul.f32 v60, v28;
	v54 =	vld.idx.msk [tilespmem:v59+s17+$0x0], $0xffff;
	v40 =	vadd.f32 v40, v57;
	v37 =	vadd.f32 v46, v37  }
0xdc: {  	s31 =	sor.u32 s10, s6;
	v39 =	vmul.f32 v39, v11;
	v55 =	vld.idx.msk [tilespmem:v59+s18+$0x0], $0xffff  }
0xdd: {  	v42 =	vor.u32 $0x6, v27;
	v56 =	vmul.f32 v47, v13;
	v46 =	vld.idx.msk [tilespmem:v14+s15+$0x0], $0xffff;
	v40 =	vadd.f32 v53, v40;
	[tilespmem:s31+$0x0] =	vst v37  }
0xde: {  	v57 =	vld.idx.msk [tilespmem:v48+s16+$0x0], $0xffff  }
0xdf: {  	v38 =	vmul.f32 v63, v10;
	v43 =	vadd.f32 v56, v62;
	v58 =	vld.idx.msk [tilespmem:v48+s15+$0x0], $0xffff;
	v39 =	vadd.f32 v39, v40  }
0xe0: {  	v35 =	vmul.f32 v35, v12;
	v59 =	vld.idx.msk [tilespmem:v48+s17+$0x0], $0xffff;
	v41 =	vmul.f32 v52, v15  }
0xe1: {  	v47 =	vor.u32 $0x5, v26;
	v61 =	vmul.f32 v54, v16;
	v38 =	vadd.f32 v38, v43;
	v54 =	vld.idx.msk [tilespmem:v48+s18+$0x0], $0xffff;
	[tilespmem:s29+$0x280] =	vst v39  }
0xe2: {  	v60 =	vadd.f32 v41, v49;
	v62 =	vld.idx.msk [tilespmem:v42+s16+$0x0], $0xffff  }
0xe3: {  	v35 =	vadd.f32 v35, v38;
	v63 =	vld.idx.msk [tilespmem:v42+s15+$0x0], $0xffff  }
0xe4: {  	v37 =	vmul.f32 v55, v22;
	v52 =	vor.u32 $0x2, v17;
	v53 =	vld.idx.msk [tilespmem:v42+s17+$0x0], $0xffff;
	v39 =	vadd.f32 v61, v60  }
0xe5: {  	v55 =	vld.idx.msk [tilespmem:v42+s18+$0x0], $0xffff;
	[tilespmem:s30+$0x200] =	vst v35  }
0xe6: {  	v56 =	vmul.f32 v57, v18;
	v35 =	vld.idx.msk [tilespmem:v47+s16+$0x0], $0xffff;
	v37 =	vadd.f32 v37, v39  }
0xe7: {  	v49 =	vld.idx.msk [tilespmem:v47+s15+$0x0], $0xffff  }
0xe8: {  	v40 =	vadd.f32 v56, v58;
	v58 =	vmul.f32 v59, v19;
	[tilespmem:s5+$0x80] =	vst v37;
	v57 =	vmul.f32 v62, v29  }
0xe9: {  	v38 =	vmul.f32 v54, v20;
	v61 =	vmul.f32 v53, v28;
	v59 =	vld.idx.msk [tilespmem:v52+s16+$0x0], $0xffff  }
0xea: {  	v62 =	vor.u32 $0x2, v32;
	v40 =	vadd.f32 v58, v40;
	v60 =	vld.idx.msk [tilespmem:v52+s15+$0x0], $0xffff;
	v37 =	vadd.f32 v57, v63  }
0xeb: {  	v25 =	vmul.f32 v31, v25;
	v27 =	vor.u32 $0x7, v27;
	v63 =	vld.idx.msk [tilespmem:v52+s17+$0x0], $0xffff  }
0xec: {  	v31 =	vld.idx.msk [tilespmem:v47+s17+$0x0], $0xffff;
	v39 =	vmul.f32 v55, v11;
	v38 =	vadd.f32 v38, v40;
	v37 =	vadd.f32 v61, v37  }
0xed: {  	v50 =	vld.idx.msk [tilespmem:v52+s18+$0x0], $0xffff  }
0xee: {  	v52 =	vld.idx.msk [tilespmem:v47+s18+$0x0], $0xffff;
	[tilespmem:s31+$0x80] =	vst v38;
	v37 =	vadd.f32 v39, v37;
	v51 =	vmul.f32 v59, v15  }
0xef: {  	v24 =	vmul.f32 v33, v24;
	v25 =	vadd.f32 v25, v30;
	v53 =	vld.idx.msk [tilespmem:v62+s16+$0x0], $0xffff  }
0xf0: {  	v38 =	vld.idx.msk [tilespmem:v62+s17+$0x0], $0xffff;
	v54 =	vmul.f32 v63, v16;
	[tilespmem:s29+$0x300] =	vst v37;
	v30 =	vadd.f32 v51, v60  }
0xf1: {  	v34 =	vmul.f32 v34, v21;
	v25 =	vadd.f32 v24, v25;
	v21 =	vmul.f32 v35, v13;
	v55 =	vld.idx.msk [tilespmem:v27+s16+$0x0], $0xffff  }
0xf2: {  	v57 =	vmul.f32 v50, v22;
	v37 =	vor.u32 $0x3, v17;
	v56 =	vld.idx.msk [tilespmem:v27+s15+$0x0], $0xffff;
	v30 =	vadd.f32 v54, v30  }
0xf3: {  	v24 =	vor.u32 $0x6, v26;
	v31 =	vmul.f32 v31, v10;
	v59 =	vadd.f32 v21, v49;
	v58 =	vld.idx.msk [tilespmem:v27+s17+$0x0], $0xffff  }
0xf4: {  	v25 =	vadd.f32 v34, v25;
	v21 =	vor.u32 $0x7, v26;
	v60 =	vld.idx.msk [tilespmem:v62+s15+$0x0], $0xffff;
	v26 =	vadd.f32 v57, v30  }
0xf5: {  	v23 =	vmul.f32 v36, v23;
	v61 =	vmul.f32 v52, v12;
	v31 =	vadd.f32 v31, v59;
	v35 =	vld.idx.msk [tilespmem:v27+s18+$0x0], $0xffff  }
0xf6: {  	v39 =	vld.idx.msk [tilespmem:v62+s18+$0x0], $0xffff;
	v27 =	vor.u32 $0x4, v32;
	v62 =	vmul.f32 v53, v18;
	[tilespmem:s5+$0x100] =	vst v26;
	v41 =	vmul.f32 v55, v29  }
0xf7: {  	v63 =	vadd.f32 v61, v31;
	v31 =	vadd.f32 v23, v46;
	v23 =	vor.u32 $0x7, v32;
	v40 =	vld.idx.msk [tilespmem:v37+s16+$0x0], $0xffff  }
0xf8: {  	[tilespmem:s2+$0x380] =	vst v25;
	v30 =	vor.u32 $0x3, v32;
	v28 =	vmul.f32 v58, v28;
	v36 =	vld.idx.msk [tilespmem:v37+s15+$0x0], $0xffff;
	v33 =	vadd.f32 v41, v56  }
0xf9: {  	s26 =	sshll.u32 s25, $0xD;
	s6 =	simm.s32 $0x2F0;
	s2 =	simm.s32 $0x4;
	v25 =	vmovc v21;
	[tilespmem:s30+$0x280] =	vst v63;
	v34 =	vadd.f32 v62, v60;
	v26 =	vor.u32 $0x5, v32;
	v29 =	vor.u32 $0x6, v32;
	v32 =	vld.idx.msk [tilespmem:v37+s17+$0x0], $0xffff  }
.LBB2_3:
0xfa: {  	v41 =	vld [tilespmem:s6+$0x0];
	v28 =	vadd.f32 v28, v33;
	v33 =	vmul.f32 v35, v11;
	v11 =	vmov v22  }
0xfb: {  	v22 =	vmul.f32 v38, v19;
	v35 =	vld.idx.msk [tilespmem:v37+s18+$0x0], $0xffff  }
0xfc: {  	s2 =	sadd.s32 $0x2, s2;
	v38 =	vmul.f32 v39, v20;
	v37 =	vld [tilespmem:s6+$0xFFFFFFF0];
	v28 =	vadd.f32 v33, v28  }
0xfd: {  	p1 =	slt.u32 s2, $0xFE;
	v22 =	vadd.f32 v22, v34;
	v33 =	vmul.f32 v40, v15;
	v34 =	vld.idx.msk [tilespmem:v24+s16+$0x0], $0xffff  }
0xfe: {  	v39 =	vld.idx.msk [tilespmem:v24+s15+$0x0], $0xffff;
	[tilespmem:s29+$0x380] =	vst v28;
	s29 =	smov.u32 s5  }
0xff: {  	v22 =	vadd.f32 v38, v22;
	v28 =	vadd.f32 v33, v36;
	v32 =	vmul.f32 v32, v16;
	v33 =	vld.idx.msk [tilespmem:v24+s17+$0x0], $0xffff  }
0x100: {  	v38 =	vmul.f32 $4.000000000e+00, v41;
	v36 =	vld.idx.msk [tilespmem:v24+s18+$0x0], $0xffff;
	v24 =	vmov v29  }
0x101: {  	v29 =	vor.u32 $0x4, v17;
	[tilespmem:s31+$0x100] =	vst v22;
	v22 =	vadd.f32 v32, v28;
	v28 =	vmul.f32 v35, v11;
	v40 =	vld.idx.msk [tilespmem:v14+s17+$0x0], $0xffff  }
0x102: {  	v35 =	vmul.f32 $4.000000000e+00, v37;
	v37 =	vld.idx.msk [tilespmem:v30+s16+$0x0], $0xffff  }
0x103: {  	v32 =	vtrunc.f32 v38;
	v41 =	vld.idx.msk [tilespmem:v30+s15+$0x0], $0xffff;
	v22 =	vadd.f32 v28, v22;
	v28 =	vmul.f32 v34, v13  }
0x104: {  	v32 =	vcvt.f32.s32 v32;
	v34 =	vtrunc.f32 v35;
	v42 =	vld.idx.msk [tilespmem:v30+s17+$0x0], $0xffff  }
0x105: {  	v34 =	vcvt.f32.s32 v34;
	v43 =	vld.idx.msk [tilespmem:v30+s18+$0x0], $0xffff;
	[tilespmem:s29+$0x180] =	vst v22;
	v22 =	vadd.f32 v28, v39;
	v28 =	vmul.f32 v33, v10  }
0x106: {  	vm0 =	vlt.s32 v32, $0x3;
	v30 =	vmul.f32 v36, v12;
	v33 =	vld.idx.msk [tilespmem:v29+s16+$0x0], $0xffff  }
0x107: {  	v39 =	vnsel vm0, $0x3, v32;
	vm1 =	vlt.s32 v34, $0x3;
	v44 =	vld.idx.msk [tilespmem:v29+s15+$0x0], $0xffff;
	v22 =	vadd.f32 v28, v22  }
0x108: {  	v32 =	vshll.u32 v39, $0x3;
	v28 =	vnsel vm1, $0x3, v34;
	v34 =	vmul.f32 v37, v18;
	v37 =	vld.idx.msk [tilespmem:v29+s17+$0x0], $0xffff  }
0x109: {  	v45 =	vcvt.s32.f32 v28;
	v46 =	vshll.u32 v28, $0x3;
	v22 =	vadd.f32 v30, v22;
	v47 =	vld.idx.msk [tilespmem:v14+s18+$0x0], $0xffff;
	v14 =	vmovc v21;
	v21 =	vmovc v23  }
0x10a: {  	v36 =	vor.u32 $0x1, v46;
	v28 =	vor.u32 $0x2, v46;
	v30 =	vor.u32 $0x3, v46;
	v48 =	vld.idx.msk [tilespmem:v29+s18+$0x0], $0xffff  }
0x10b: {  	v45 =	vsub.f32 v35, v45;
	v29 =	vadd.f32 v34, v41;
	v34 =	vmul.f32 v42, v19;
	[tilespmem:s30+$0x300] =	vst v22  }
0x10c: {  	v41 =	vor.u32 $0x4, v46;
	v22 =	vmul.f32 v43, v20;
	v33 =	vmul.f32 v33, v15;
	v42 =	vld.idx.msk [tilespmem:v25+s16+$0x0], $0xffff;
	v25 =	vmovc v23  }
0x10d: {  	v35 =	vor.u32 $0x5, v46;
	v43 =	vmul.f32 v45, v45;
	v23 =	vadd.f32 v34, v29;
	v49 =	vld.idx.msk [tilespmem:v32+s16+$0x0], $0xffff  }
0x10e: {  	v29 =	vor.u32 $0x6, v46;
	v33 =	vadd.f32 v33, v44;
	v34 =	vmul.f32 v37, v16;
	v50 =	vld.idx.msk [tilespmem:v32+s15+$0x0], $0xffff  }
0x10f: {  	v37 =	vcvt.s32.f32 v39;
	v44 =	vmul.f32 v43, v45;
	v22 =	vadd.f32 v22, v23;
	v39 =	vld.idx.msk [tilespmem:v32+s17+$0x0], $0xffff  }
0x110: {  	v52 =	vor.u32 $0x5, v17;
	v34 =	vadd.f32 v34, v33;
	v48 =	vmul.f32 v48, v11;
	v51 =	vld.idx.msk [tilespmem:v46+s16+$0x0], $0xffff  }
0x111: {  	v53 =	vmul.f32 v40, v8;
	v23 =	vor.u32 $0x7, v46;
	v33 =	vsub.f32 v38, v37;
	v38 =	vld.idx.msk [tilespmem:v32+s18+$0x0], $0xffff;
	[tilespmem:s31+$0x180] =	vst v22  }
0x112: {  	v9 =	vmul.f32 v47, v9;
	v22 =	vadd.f32 v48, v34;
	v37 =	vmul.f32 v42, v13;
	v40 =	vld.idx.msk [tilespmem:v46+s15+$0x0], $0xffff  }
0x113: {  	v31 =	vadd.f32 v53, v31;
	v34 =	vmul.f32 v33, v33;
	v47 =	vmul.f32 v33, v49;
	v42 =	vld.idx.msk [tilespmem:v46+s17+$0x0], $0xffff  }
0x114: {  	v8 =	vmovc v10;
	v10 =	vmovc v19;
	v19 =	vmov v43;
	v13 =	vmov v18;
	v18 =	vmov v45;
	v46 =	vld.idx.msk [tilespmem:v46+s18+$0x0], $0xffff;
	[tilespmem:s29+$0x200] =	vst v22  }
0x115: {  	v22 =	vmul.f32 v34, v33;
	v43 =	vadd.f32 v47, v50;
	v39 =	vmul.f32 v34, v39;
	v45 =	vld.idx.msk [tilespmem:v52+s16+$0x0], $0xffff  }
0x116: {  	v31 =	vadd.f32 v9, v31;
	v9 =	vmovc v12;
	v12 =	vmov v20;
	v47 =	vmul.f32 v18, v51;
	v48 =	vld.idx.msk [tilespmem:v52+s15+$0x0], $0xffff  }
0x117: {  	s1 =	sadd.s32 $0x100, s1;
	v20 =	vmovc v44;
	v39 =	vadd.f32 v39, v43;
	v38 =	vmul.f32 v22, v38;
	v43 =	vor.u32 $0x1, v32;
	v49 =	vld.idx.msk [tilespmem:v52+s17+$0x0], $0xffff  }
0x118: {  	s12 =	sadd.s32 $0x20, s12;
	s5 =	sand.u32 $0x7C00, s1;
	v40 =	vadd.f32 v47, v40;
	v44 =	vld.idx.msk [tilespmem:v27+s16+$0x0], $0xffff;
	[tilespmem:s28+$0x380] =	vst v31;
	s28 =	smov.u32 s30  }
0x119: {  	s10 =	sadd.s32 $0xFFFFFFF0, s12;
	s4 =	sadd.s32 $0x2280, s5;
	s5 =	sand.u32 $0x70, s12;
	v31 =	vmul.f32 v19, v42;
	v38 =	vadd.f32 v38, v39;
	v39 =	vld.idx.msk [tilespmem:v52+s18+$0x0], $0xffff  }
0x11a: {  	s10 =	sand.u32 $0x60, s10;
	s5 =	sor.u32 s5, s4;
	s30 =	smov.u32 s31;
	v42 =	vmul.f32 v20, v46;
	v46 =	vld.idx.msk [tilespmem:v27+s15+$0x0], $0xffff  }
0x11b: {  	s31 =	sor.u32 s10, s4;
	v31 =	vadd.f32 v31, v40;
	v40 =	vmul.f32 v45, v15;
	[tilespmem:s5+$0x0] =	vst v38;
	v38 =	vld.idx.msk [tilespmem:v27+s17+$0x0], $0xffff  }
0x11c: {  	v45 =	vld.idx.msk [tilespmem:v43+s16+$0x0], $0xffff  }
0x11d: {  	v31 =	vadd.f32 v42, v31;
	v40 =	vadd.f32 v40, v48;
	v47 =	vmul.f32 v49, v16;
	v42 =	vld.idx.msk [tilespmem:v43+s15+$0x0], $0xffff  }
0x11e: {  	v44 =	vmul.f32 v44, v13;
	v48 =	vld.idx.msk [tilespmem:v43+s17+$0x0], $0xffff  }
0x11f: {  	v40 =	vadd.f32 v47, v40;
	v39 =	vmul.f32 v39, v11;
	v47 =	vor.u32 $0x6, v17;
	[tilespmem:s31+$0x0] =	vst v31;
	v31 =	vld.idx.msk [tilespmem:v27+s18+$0x0], $0xffff  }
0x120: {  	v44 =	vadd.f32 v44, v46;
	v27 =	vmov v41;
	v43 =	vld.idx.msk [tilespmem:v43+s18+$0x0], $0xffff  }
0x121: {  	v38 =	vmul.f32 v38, v10;
	v39 =	vadd.f32 v39, v40;
	v41 =	vld.idx.msk [tilespmem:v36+s16+$0x0], $0xffff  }
0x122: {  	v45 =	vmul.f32 v45, v33;
	v40 =	vld.idx.msk [tilespmem:v36+s15+$0x0], $0xffff  }
0x123: {  	v38 =	vadd.f32 v38, v44;
	v46 =	vld.idx.msk [tilespmem:v36+s17+$0x0], $0xffff;
	[tilespmem:s29+$0x280] =	vst v39  }
0x124: {  	v39 =	vadd.f32 v45, v42;
	v42 =	vmul.f32 v48, v34;
	v44 =	vld.idx.msk [tilespmem:v47+s16+$0x0], $0xffff  }
0x125: {  	v31 =	vmul.f32 v31, v12;
	v45 =	vld.idx.msk [tilespmem:v47+s15+$0x0], $0xffff  }
0x126: {  	v39 =	vadd.f32 v42, v39;
	v42 =	vmul.f32 v43, v22;
	v43 =	vor.u32 $0x2, v32;
	v48 =	vld.idx.msk [tilespmem:v47+s17+$0x0], $0xffff  }
0x127: {  	v41 =	vmul.f32 v41, v18;
	v31 =	vadd.f32 v31, v38;
	v36 =	vld.idx.msk [tilespmem:v36+s18+$0x0], $0xffff  }
0x128: {  	v38 =	vadd.f32 v42, v39;
	v39 =	vld.idx.msk [tilespmem:v47+s18+$0x0], $0xffff  }
0x129: {  	v40 =	vadd.f32 v41, v40;
	v41 =	vmul.f32 v46, v19;
	[tilespmem:s30+$0x200] =	vst v31;
	v31 =	vld.idx.msk [tilespmem:v14+s15+$0x0], $0xffff  }
0x12a: {  	v42 =	vmul.f32 v44, v15;
	[tilespmem:s5+$0x80] =	vst v38;
	v38 =	vld.idx.msk [tilespmem:v26+s16+$0x0], $0xffff  }
0x12b: {  	v40 =	vadd.f32 v41, v40;
	v41 =	vld.idx.msk [tilespmem:v43+s16+$0x0], $0xffff  }
0x12c: {  	v42 =	vadd.f32 v42, v45;
	v45 =	vmul.f32 v48, v16;
	v44 =	vld.idx.msk [tilespmem:v43+s15+$0x0], $0xffff  }
0x12d: {  	v36 =	vmul.f32 v36, v20;
	v46 =	vld.idx.msk [tilespmem:v43+s17+$0x0], $0xffff  }
0x12e: {  	v42 =	vadd.f32 v45, v42;
	v39 =	vmul.f32 v39, v11;
	v45 =	vor.u32 $0x7, v17;
	v17 =	vmovc v32;
	v47 =	vld.idx.msk [tilespmem:v26+s15+$0x0], $0xffff  }
0x12f: {  	v32 =	vadd.f32 v36, v40;
	v31 =	vadd.f32 v37, v31;
	v36 =	vld.idx.msk [tilespmem:v43+s18+$0x0], $0xffff  }
0x130: {  	v37 =	vmul.f32 v38, v13;
	v38 =	vadd.f32 v39, v42;
	v40 =	vld.idx.msk [tilespmem:v26+s17+$0x0], $0xffff  }
0x131: {  	[tilespmem:s31+$0x80] =	vst v32;
	v32 =	vmul.f32 v41, v33;
	v39 =	vld.idx.msk [tilespmem:v26+s18+$0x0], $0xffff;
	v26 =	vmov v35  }
0x132: {  	v41 =	vld.idx.msk [tilespmem:v28+s16+$0x0], $0xffff;
	[tilespmem:s29+$0x300] =	vst v38  }
0x133: {  	v35 =	vmul.f32 v46, v34;
	v32 =	vadd.f32 v32, v44;
	v42 =	vld.idx.msk [tilespmem:v45+s16+$0x0], $0xffff  }
0x134: {  	v43 =	vadd.f32 v37, v47;
	v44 =	vld.idx.msk [tilespmem:v45+s15+$0x0], $0xffff  }
0x135: {  	v37 =	vor.u32 $0x3, v17;
	v32 =	vadd.f32 v35, v32;
	v35 =	vmul.f32 v36, v22;
	v46 =	vld.idx.msk [tilespmem:v45+s17+$0x0], $0xffff  }
0x136: {  	v36 =	vmul.f32 v40, v10;
	v47 =	vld.idx.msk [tilespmem:v28+s15+$0x0], $0xffff  }
0x137: {  	v48 =	vmul.f32 v39, v12;
	v32 =	vadd.f32 v35, v32;
	v35 =	vld.idx.msk [tilespmem:v45+s18+$0x0], $0xffff  }
.Ltmp2:
0x138: {  	v41 =	vmul.f32 v41, v18;
	v36 =	vadd.f32 v36, v43;
	v38 =	vld.idx.msk [tilespmem:v28+s17+$0x0], $0xffff;
	(pc) =	sbr.rel @p1 .LBB2_3-.Ltmp2, $4  }
0x139: {  	v39 =	vld.idx.msk [tilespmem:v28+s18+$0x0], $0xffff;
	[tilespmem:s5+$0x100] =	vst v32;
	v28 =	vmul.f32 v42, v15;
	v15 =	vmov v33  }
0x13a: {  	v42 =	vadd.f32 v48, v36;
	v40 =	vld.idx.msk [tilespmem:v37+s16+$0x0], $0xffff  }
0x13b: {  	v36 =	vld.idx.msk [tilespmem:v37+s15+$0x0], $0xffff;
	v33 =	vadd.f32 v28, v44;
	v28 =	vmul.f32 v46, v16;
	v16 =	vmov v34  }
0x13c: {  	s6 =	sadd.s32 $0x20, s6;
	v34 =	vadd.f32 v41, v47;
	v32 =	vld.idx.msk [tilespmem:v37+s17+$0x0], $0xffff;
	[tilespmem:s30+$0x280] =	vst v42  }
0x13d: {  	v38 =	vmul.f32 v38, v19;
	_ =	sdelay $0x1  }
0x13e: {  	v39 =	vmul.f32 v39, v20;
	v34 =	vadd.f32 v38, v34;
	_ =	sdelay $0x1  }
0x13f: {  	v34 =	vadd.f32 v39, v34;
	_ =	sdelay $0x1  }
0x140: {  	v37 =	vld.idx.msk [tilespmem:v37+s18+$0x0], $0xffff;
	[tilespmem:s31+$0x100] =	vst v34  }
0x141: {  	v61 =	vmul.f32 v40, v15;
	v62 =	vld.idx.msk [tilespmem:v30+s16+$0x0], $0xffff  }
0x142: {  	v63 =	vld.idx.msk [tilespmem:v30+s15+$0x0], $0xffff  }
0x143: {  	v32 =	vmul.f32 v32, v16;
	v34 =	vadd.f32 v61, v36;
	v41 =	vld.idx.msk [tilespmem:v30+s17+$0x0], $0xffff;
	_ =	sdelay $0x1  }
0x144: {  	v43 =	vor.u32 $0x4, v17;
	v42 =	vmul.f32 v37, v22;
	v30 =	vld.idx.msk [tilespmem:v30+s18+$0x0], $0xffff;
	v32 =	vadd.f32 v32, v34  }
0x145: {  	v38 =	vmul.f32 v62, v18  }
0x146: {  	v32 =	vadd.f32 v42, v32  }
0x147: {  	v36 =	vmul.f32 v41, v19;
	v44 =	vadd.f32 v38, v63  }
0x148: {  	[tilespmem:s5+$0x180] =	vst v32  }
0x149: {  	v30 =	vmul.f32 v30, v20;
	v32 =	vld.idx.msk [tilespmem:v43+s16+$0x0], $0xffff;
	v34 =	vadd.f32 v36, v44  }
0x14a: {  	v45 =	vld.idx.msk [tilespmem:v43+s15+$0x0], $0xffff  }
0x14b: {  	v46 =	vld.idx.msk [tilespmem:v43+s17+$0x0], $0xffff;
	v30 =	vadd.f32 v30, v34;
	_ =	sdelay $0x1  }
0x14c: {  	v47 =	vld.idx.msk [tilespmem:v43+s18+$0x0], $0xffff;
	[tilespmem:s31+$0x180] =	vst v30  }
0x14d: {  	v30 =	vmul.f32 v32, v15;
	v48 =	vld.idx.msk [tilespmem:v27+s16+$0x0], $0xffff  }
0x14e: {  	v49 =	vld.idx.msk [tilespmem:v27+s15+$0x0], $0xffff  }
0x14f: {  	v50 =	vmul.f32 v46, v16;
	v51 =	vld.idx.msk [tilespmem:v27+s17+$0x0], $0xffff;
	v30 =	vadd.f32 v30, v45;
	_ =	sdelay $0x1  }
0x150: {  	v52 =	vor.u32 $0x5, v17;
	v34 =	vmul.f32 v47, v22;
	v27 =	vld.idx.msk [tilespmem:v27+s18+$0x0], $0xffff;
	v30 =	vadd.f32 v50, v30  }
0x151: {  	v32 =	vmul.f32 v48, v18  }
0x152: {  	v30 =	vadd.f32 v34, v30  }
0x153: {  	v53 =	vmul.f32 v51, v19;
	v32 =	vadd.f32 v32, v49  }
0x154: {  	[tilespmem:s5+$0x200] =	vst v30  }
0x155: {  	v27 =	vmul.f32 v27, v20;
	v30 =	vld.idx.msk [tilespmem:v52+s16+$0x0], $0xffff;
	v32 =	vadd.f32 v53, v32  }
0x156: {  	v54 =	vld.idx.msk [tilespmem:v52+s15+$0x0], $0xffff  }
0x157: {  	v55 =	vld.idx.msk [tilespmem:v52+s17+$0x0], $0xffff;
	v27 =	vadd.f32 v27, v32;
	_ =	sdelay $0x1  }
0x158: {  	v56 =	vld.idx.msk [tilespmem:v52+s18+$0x0], $0xffff;
	[tilespmem:s31+$0x200] =	vst v27  }
0x159: {  	v27 =	vmul.f32 v30, v15;
	v30 =	vld.idx.msk [tilespmem:v26+s16+$0x0], $0xffff  }
0x15a: {  	v57 =	vld.idx.msk [tilespmem:v26+s15+$0x0], $0xffff  }
0x15b: {  	v58 =	vmul.f32 v55, v16;
	v59 =	vld.idx.msk [tilespmem:v26+s17+$0x0], $0xffff;
	v27 =	vadd.f32 v27, v54;
	_ =	sdelay $0x1  }
0x15c: {  	v60 =	vor.u32 $0x6, v17;
	v32 =	vmul.f32 v56, v22;
	v26 =	vld.idx.msk [tilespmem:v26+s18+$0x0], $0xffff;
	v27 =	vadd.f32 v58, v27  }
0x15d: {  	v61 =	vld.idx.msk [tilespmem:v24+s16+$0x0], $0xffff;
	v30 =	vmul.f32 v30, v18  }
0x15e: {  	v62 =	vld.idx.msk [tilespmem:v24+s15+$0x0], $0xffff;
	v27 =	vadd.f32 v32, v27  }
0x15f: {  	v63 =	vld.idx.msk [tilespmem:v24+s17+$0x0], $0xffff;
	v40 =	vmul.f32 v59, v19;
	v30 =	vadd.f32 v30, v57  }
0x160: {  	v24 =	vld.idx.msk [tilespmem:v24+s18+$0x0], $0xffff;
	[tilespmem:s5+$0x280] =	vst v27  }
0x161: {  	v26 =	vmul.f32 v26, v20;
	v27 =	vld.idx.msk [tilespmem:v60+s16+$0x0], $0xffff;
	v30 =	vadd.f32 v40, v30  }
0x162: {  	v41 =	vld.idx.msk [tilespmem:v60+s15+$0x0], $0xffff  }
0x163: {  	v43 =	vld.idx.msk [tilespmem:v60+s17+$0x0], $0xffff;
	v26 =	vadd.f32 v26, v30  }
0x164: {  	v42 =	vmul.f32 v61, v13  }
0x165: {  	v34 =	vld.idx.msk [tilespmem:v60+s18+$0x0], $0xffff;
	[tilespmem:s31+$0x280] =	vst v26  }
0x166: {  	v32 =	vmul.f32 v63, v10;
	v30 =	vadd.f32 v42, v62;
	v26 =	vmul.f32 v27, v15;
	v27 =	vld.idx.msk [tilespmem:v29+s16+$0x0], $0xffff  }
0x167: {  	v24 =	vmul.f32 v24, v12;
	v44 =	vld.idx.msk [tilespmem:v29+s15+$0x0], $0xffff  }
0x168: {  	v30 =	vadd.f32 v32, v30;
	v45 =	vmul.f32 v43, v16;
	v46 =	vld.idx.msk [tilespmem:v29+s17+$0x0], $0xffff;
	v26 =	vadd.f32 v26, v41  }
0x169: {  	v17 =	vor.u32 $0x7, v17  }
0x16a: {  	v29 =	vld.idx.msk [tilespmem:v29+s18+$0x0], $0xffff;
	v24 =	vadd.f32 v24, v30;
	v30 =	vmul.f32 v34, v22;
	v26 =	vadd.f32 v45, v26  }
0x16b: {  	v47 =	vld.idx.msk [tilespmem:v14+s17+$0x0], $0xffff;
	v27 =	vmul.f32 v27, v18  }
0x16c: {  	v14 =	vld.idx.msk [tilespmem:v14+s18+$0x0], $0xffff;
	[tilespmem:s30+$0x300] =	vst v24;
	v24 =	vadd.f32 v30, v26  }
0x16d: {  	v25 =	vld.idx.msk [tilespmem:v25+s16+$0x0], $0xffff;
	v26 =	vadd.f32 v27, v44;
	v27 =	vmul.f32 v46, v19  }
0x16e: {  	v30 =	vld.idx.msk [tilespmem:v21+s15+$0x0], $0xffff;
	[tilespmem:s5+$0x300] =	vst v24  }
0x16f: {  	v29 =	vmul.f32 v29, v20;
	v24 =	vld.idx.msk [tilespmem:v17+s16+$0x0], $0xffff;
	v26 =	vadd.f32 v27, v26  }
0x170: {  	v48 =	vld.idx.msk [tilespmem:v17+s17+$0x0], $0xffff  }
0x171: {  	v27 =	vld.idx.msk [tilespmem:v17+s15+$0x0], $0xffff;
	v26 =	vadd.f32 v29, v26  }
0x172: {  	v17 =	vld.idx.msk [tilespmem:v17+s18+$0x0], $0xffff  }
0x173: {  	v29 =	vld.idx.msk [tilespmem:v21+s17+$0x0], $0xffff;
	[tilespmem:s31+$0x300] =	vst v26  }
0x174: {  	v26 =	vld.idx.msk [tilespmem:v23+s16+$0x0], $0xffff  }
0x175: {  	v28 =	vadd.f32 v28, v33;
	v11 =	vmul.f32 v35, v11;
	v49 =	vld.idx.msk [tilespmem:v23+s15+$0x0], $0xffff  }
0x176: {  	v15 =	vmul.f32 v24, v15;
	v24 =	vld.idx.msk [tilespmem:v23+s17+$0x0], $0xffff  }
0x177: {  	v11 =	vadd.f32 v11, v28;
	v8 =	vmul.f32 v47, v8;
	v21 =	vld.idx.msk [tilespmem:v21+s18+$0x0], $0xffff  }
0x178: {  	v13 =	vmul.f32 v25, v13;
	v16 =	vmul.f32 v48, v16;
	v23 =	vld.idx.msk [tilespmem:v23+s18+$0x0], $0xffff;
	v15 =	vadd.f32 v15, v27  }
0x179: {  	v9 =	vmul.f32 v14, v9;
	v8 =	vadd.f32 v8, v31;
	v14 =	vmul.f32 v26, v18  }
0x17a: {  	v13 =	vadd.f32 v13, v30;
	v10 =	vmul.f32 v29, v10;
	v15 =	vadd.f32 v16, v15  }
0x17b: {  	v16 =	vmul.f32 v17, v22;
	v17 =	vmul.f32 v24, v19;
	v14 =	vadd.f32 v14, v49  }
0x17c: {  	v8 =	vadd.f32 v9, v8;
	v9 =	vmul.f32 v21, v12;
	v10 =	vadd.f32 v10, v13  }
0x17d: {  	[tilespmem:s29+$0x380] =	vst v11;
	v11 =	vadd.f32 v16, v15;
	v12 =	vmul.f32 v23, v20;
	v13 =	vadd.f32 v17, v14  }
0x17e: {  	[tilespmem:s28+$0x380] =	vst v8;
	v8 =	vadd.f32 v9, v10  }
0x17f: {  	[tilespmem:s5+$0x380] =	vst v11;
	v9 =	vadd.f32 v12, v13  }
0x180: {  	[tilespmem:s30+$0x380] =	vst v8  }
0x181: {  	s1 =	sadd.s32 s26, s7;
	p1 =	seq.s32 s25, $0x7;
	[tilespmem:s31+$0x380] =	vst v9  }
0x182: {  	[hbm4b:s1+s3] =	stream.linear.scatter [tilespmem:s19], [sflag:$0x3], $0x8000, $0x38;
	[tilespmem:$0x12280] =	vst v63  }
0x183: {  	s1 =	sadd.s32 @!p1 s26, s8  }
0x184: {  	s1 =	sshrl.u32 @!p1 s1, $0x3  }
0x185: {  	s2 =	simm.s32 @!p1 $0x0;
	s4 =	simm.s32 @!p1 $0x280;
	s1 =	sadd.s32 @!p1 s0, s1  }
0x186: {  	[tilespmem:s4], [sflag:$0x1] =	stream.linear.gather @!p1 [hbm4b:s1+s2], $0x1000, $0x38;
	[tilespmem:$0x12280] =	vst v63  }
0x187: {  	_ =	swait.ge [sflag:s20], $0x1000  }
0x188: {  	[sflag:s20] =	ssyncset.done $0x0  }
0x189: {  	s1 =	simm.s32 @!p0 $0x4;
	[sflag:s20] =	ssyncadd.s32 $0xFFFFF000  }
0x18a: {  	_ =	swait.ge @!p0 [sflag:s1], $0x8000  }
0x18b: {  	[sflag:s1] =	ssyncset.done @!p0 $0x0  }
0x18c: {  	s2 =	simm.s32 $0x1290;
	[sflag:s1] =	ssyncadd.s32 @!p0 $0xFFFF8000  }
0x18d: {  	v8 =	vld [tilespmem:s2+$0x0];
	_ =	sdelay $0x4  }
0x18e: {  	v8 =	vmul.f32 $4.000000000e+00, v8;
	_ =	sdelay $0x1  }
0x18f: {  	v9 =	vtrunc.f32 v8  }
0x190: {  	v9 =	vcvt.f32.s32 v9;
	_ =	sdelay $0x1  }
0x191: {  	v10 =	vld [tilespmem:s2+$0xFFFFFFF0];
	vm0 =	vlt.s32 v9, $0x3  }
0x192: {  	v9 =	vnsel vm0, $0x3, v9  }
0x193: {  	v15 =	vshll.u32 v9, $0x3;
	_ =	sdelay $0x2  }
0x194: {  	v10 =	vmul.f32 $4.000000000e+00, v10;
	_ =	sdelay $0x1  }
0x195: {  	v11 =	vtrunc.f32 v10;
	v12 =	vld.idx.msk [tilespmem:v15+s16+$0x0], $0xffff  }
0x196: {  	v11 =	vcvt.f32.s32 v11;
	v9 =	vcvt.s32.f32 v9;
	v13 =	vld.idx.msk [tilespmem:v15+s15+$0x0], $0xffff  }
0x197: {  	v16 =	vld.idx.msk [tilespmem:v15+s17+$0x0], $0xffff  }
0x198: {  	vm11 =	vlt.s32 v11, $0x3;
	v25 =	vsub.f32 v8, v9  }
0x199: {  	v8 =	vnsel vm11, $0x3, v11;
	v9 =	vld.idx.msk [tilespmem:v15+s18+$0x0], $0xffff  }
0x19a: {  	v14 =	vshll.u32 v8, $0x3;
	v24 =	vmul.f32 v25, v25;
	v11 =	vmul.f32 v25, v12;
	_ =	sdelay $0x1  }
0x19b: {  	v21 =	vmul.f32 v24, v25;
	v12 =	vmul.f32 v24, v16;
	v11 =	vadd.f32 v11, v13;
	_ =	sdelay $0x1  }
0x19c: {  	s4 =	simm.s32 $0x0;
	v9 =	vmul.f32 v21, v9;
	v11 =	vadd.f32 v12, v11;
	v12 =	vor.u32 $0x1, v15  }
0x19d: {  	s5 =	simm.s32 $0x10;
	s1 =	sand.u32 $0x7C00, s4;
	v13 =	vld.idx.msk [tilespmem:v14+s16+$0x0], $0xffff  }
0x19e: {  	s1 =	sadd.s32 $0xA280, s1;
	s2 =	sand.u32 $0x70, s5;
	v8 =	vcvt.s32.f32 v8;
	v16 =	vld.idx.msk [tilespmem:v14+s15+$0x0], $0xffff;
	v9 =	vadd.f32 v9, v11  }
0x19f: {  	s2 =	sor.u32 s2, s1;
	v11 =	vld.idx.msk [tilespmem:v14+s17+$0x0], $0xffff  }
0x1a0: {  	v23 =	vsub.f32 v10, v8;
	v10 =	vld.idx.msk [tilespmem:v14+s18+$0x0], $0xffff;
	[tilespmem:s2+$0x0] =	vst v9  }
0x1a1: {  	v17 =	vld.idx.msk [tilespmem:v12+s16+$0x0], $0xffff  }
0x1a2: {  	v8 =	vmul.f32 v23, v23;
	v13 =	vmul.f32 v23, v13;
	v18 =	vld.idx.msk [tilespmem:v12+s15+$0x0], $0xffff  }
0x1a3: {  	v19 =	vld.idx.msk [tilespmem:v12+s17+$0x0], $0xffff  }
0x1a4: {  	v9 =	vmul.f32 v8, v23;
	v13 =	vadd.f32 v13, v16;
	v11 =	vmul.f32 v8, v11  }
0x1a5: {  	v16 =	vor.u32 $0x1, v14;
	v12 =	vld.idx.msk [tilespmem:v12+s18+$0x0], $0xffff  }
0x1a6: {  	v10 =	vmul.f32 v9, v10;
	v11 =	vadd.f32 v11, v13;
	v13 =	vmul.f32 v17, v25  }
0x1a7: {  	s6 =	simm.s32 $0x0  }
0x1a8: {  	s4 =	sand.u32 $0x60, s6;
	v10 =	vadd.f32 v10, v11;
	v11 =	vadd.f32 v13, v18;
	v13 =	vmul.f32 v19, v24  }
0x1a9: {  	s28 =	sor.u32 s4, s1  }
0x1aa: {  	[tilespmem:s28+$0x0] =	vst v10;
	v10 =	vadd.f32 v13, v11;
	v11 =	vmul.f32 v12, v21;
	v12 =	vor.u32 $0x2, v15  }
0x1ab: {  	v13 =	vld.idx.msk [tilespmem:v16+s16+$0x0], $0xffff  }
0x1ac: {  	v17 =	vld.idx.msk [tilespmem:v16+s15+$0x0], $0xffff;
	v10 =	vadd.f32 v11, v10  }
0x1ad: {  	v11 =	vld.idx.msk [tilespmem:v16+s17+$0x0], $0xffff  }
0x1ae: {  	v16 =	vld.idx.msk [tilespmem:v16+s18+$0x0], $0xffff;
	[tilespmem:s2+$0x80] =	vst v10  }
0x1af: {  	v10 =	vld.idx.msk [tilespmem:v12+s16+$0x0], $0xffff  }
0x1b0: {  	v13 =	vmul.f32 v13, v23;
	v18 =	vld.idx.msk [tilespmem:v12+s15+$0x0], $0xffff  }
0x1b1: {  	v19 =	vld.idx.msk [tilespmem:v12+s17+$0x0], $0xffff  }
0x1b2: {  	v13 =	vadd.f32 v13, v17;
	v11 =	vmul.f32 v11, v8  }
0x1b3: {  	v12 =	vld.idx.msk [tilespmem:v12+s18+$0x0], $0xffff;
	v17 =	vor.u32 $0x2, v14  }
0x1b4: {  	v11 =	vadd.f32 v11, v13;
	v13 =	vmul.f32 v16, v9;
	v10 =	vmul.f32 v10, v25;
	_ =	sdelay $0x1  }
0x1b5: {  	v11 =	vadd.f32 v13, v11;
	v13 =	vmul.f32 v19, v24;
	v10 =	vadd.f32 v10, v18;
	_ =	sdelay $0x1  }
0x1b6: {  	[tilespmem:s28+$0x80] =	vst v11;
	v11 =	vmul.f32 v12, v21;
	v12 =	vor.u32 $0x3, v15;
	v10 =	vadd.f32 v13, v10  }
0x1b7: {  	v13 =	vld.idx.msk [tilespmem:v17+s16+$0x0], $0xffff  }
0x1b8: {  	v16 =	vld.idx.msk [tilespmem:v17+s15+$0x0], $0xffff;
	v10 =	vadd.f32 v11, v10  }
0x1b9: {  	v11 =	vld.idx.msk [tilespmem:v17+s17+$0x0], $0xffff  }
0x1ba: {  	v17 =	vld.idx.msk [tilespmem:v17+s18+$0x0], $0xffff;
	[tilespmem:s2+$0x100] =	vst v10  }
0x1bb: {  	v10 =	vld.idx.msk [tilespmem:v12+s16+$0x0], $0xffff  }
0x1bc: {  	v18 =	vld.idx.msk [tilespmem:v12+s15+$0x0], $0xffff  }
0x1bd: {  	s10 =	simm.s32 $0x12B0;
	v13 =	vmul.f32 v13, v23;
	v19 =	vld.idx.msk [tilespmem:v12+s17+$0x0], $0xffff  }
0x1be: {  	v20 =	vld [tilespmem:s10+$0x0]  }
0x1bf: {  	v12 =	vld.idx.msk [tilespmem:v12+s18+$0x0], $0xffff;
	v13 =	vadd.f32 v13, v16;
	v11 =	vmul.f32 v11, v8  }
0x1c0: {  	v10 =	vmul.f32 v10, v25  }
0x1c1: {  	v16 =	vld [tilespmem:s10+$0xFFFFFFF0];
	v17 =	vmul.f32 v17, v9;
	v11 =	vadd.f32 v11, v13  }
0x1c2: {  	v13 =	vor.u32 $0x3, v14;
	v10 =	vadd.f32 v10, v18;
	v18 =	vmul.f32 v19, v24  }
0x1c3: {  	v11 =	vadd.f32 v17, v11;
	v17 =	vmul.f32 $4.000000000e+00, v20  }
0x1c4: {  	v12 =	vmul.f32 v12, v21;
	v10 =	vadd.f32 v18, v10;
	v18 =	vor.u32 $0x4, v15  }
0x1c5: {  	v19 =	vtrunc.f32 v17  }
0x1c6: {  	v16 =	vmul.f32 $4.000000000e+00, v16;
	[tilespmem:s28+$0x100] =	vst v11;
	v11 =	vcvt.f32.s32 v19;
	v10 =	vadd.f32 v12, v10  }
0x1c7: {  	v19 =	vld.idx.msk [tilespmem:v13+s15+$0x0], $0xffff  }
0x1c8: {  	v20 =	vtrunc.f32 v16;
	v30 =	vld.idx.msk [tilespmem:v13+s17+$0x0], $0xffff;
	vm12 =	vlt.s32 v11, $0x3;
	[tilespmem:s2+$0x180] =	vst v10  }
0x1c9: {  	v11 =	vnsel vm12, $0x3, v11;
	v10 =	vcvt.f32.s32 v20;
	v20 =	vld.idx.msk [tilespmem:v18+s16+$0x0], $0xffff  }
0x1ca: {  	v27 =	vshll.u32 v11, $0x3;
	v22 =	vld.idx.msk [tilespmem:v18+s15+$0x0], $0xffff  }
0x1cb: {  	v28 =	vld.idx.msk [tilespmem:v18+s17+$0x0], $0xffff  }
0x1cc: {  	v12 =	vld.idx.msk [tilespmem:v13+s16+$0x0], $0xffff;
	vm13 =	vlt.s32 v10, $0x3  }
0x1cd: {  	v18 =	vld.idx.msk [tilespmem:v18+s18+$0x0], $0xffff;
	v10 =	vnsel vm13, $0x3, v10  }
0x1ce: {  	v13 =	vld.idx.msk [tilespmem:v13+s18+$0x0], $0xffff;
	v26 =	vshll.u32 v10, $0x3;
	v20 =	vmul.f32 v20, v25  }
0x1cf: {  	v11 =	vcvt.s32.f32 v11;
	v31 =	vld.idx.msk [tilespmem:v27+s16+$0x0], $0xffff  }
0x1d0: {  	v50 =	vld.idx.msk [tilespmem:v27+s15+$0x0], $0xffff;
	v20 =	vadd.f32 v20, v22;
	v22 =	vmul.f32 v28, v24  }
0x1d1: {  	v53 =	vor.u32 $0x4, v14;
	v29 =	vsub.f32 v17, v11;
	v12 =	vmul.f32 v12, v23;
	v51 =	vld.idx.msk [tilespmem:v27+s17+$0x0], $0xffff  }
0x1d2: {  	v17 =	vld.idx.msk [tilespmem:v27+s18+$0x0], $0xffff;
	v18 =	vmul.f32 v18, v21;
	v20 =	vadd.f32 v22, v20;
	v22 =	vor.u32 $0x5, v15  }
0x1d3: {  	v11 =	vadd.f32 v12, v19;
	v12 =	vmul.f32 v30, v8;
	v28 =	vmul.f32 v29, v29;
	v52 =	vld.idx.msk [tilespmem:v26+s16+$0x0], $0xffff  }
0x1d4: {  	v10 =	vcvt.s32.f32 v10;
	v19 =	vld.idx.msk [tilespmem:v26+s15+$0x0], $0xffff;
	v30 =	vmul.f32 v29, v31;
	v18 =	vadd.f32 v18, v20  }
0x1d5: {  	v12 =	vadd.f32 v12, v11;
	v54 =	vld.idx.msk [tilespmem:v26+s18+$0x0], $0xffff;
	v31 =	vmul.f32 v13, v9;
	v11 =	vmul.f32 v28, v29  }
0x1d6: {  	v20 =	vld.idx.msk [tilespmem:v26+s17+$0x0], $0xffff;
	[tilespmem:s2+$0x200] =	vst v18;
	v18 =	vadd.f32 v30, v50;
	v30 =	vmul.f32 v28, v51  }
0x1d7: {  	v13 =	vsub.f32 v16, v10;
	v12 =	vadd.f32 v31, v12;
	v16 =	vld.idx.msk [tilespmem:v22+s16+$0x0], $0xffff  }
0x1d8: {  	s11 =	simm.s32 $0x100;
	v17 =	vmul.f32 v11, v17;
	v31 =	vld.idx.msk [tilespmem:v22+s15+$0x0], $0xffff;
	v18 =	vadd.f32 v30, v18;
	v30 =	vor.u32 $0x1, v27  }
0x1d9: {  	s12 =	simm.s32 $0x30;
	s1 =	sand.u32 $0x7C00, s11;
	v10 =	vmul.f32 v13, v13;
	[tilespmem:s28+$0x180] =	vst v12;
	v55 =	vld.idx.msk [tilespmem:v22+s17+$0x0], $0xffff  }
0x1da: {  	s4 =	sand.u32 $0x70, s12;
	s1 =	sadd.s32 $0xA280, s1;
	v56 =	vmul.f32 v13, v52;
	v57 =	vld.idx.msk [tilespmem:v53+s16+$0x0], $0xffff;
	v17 =	vadd.f32 v17, v18  }
0x1db: {  	s29 =	sor.u32 s4, s1;
	v12 =	vmul.f32 v10, v13;
	v60 =	vld.idx.msk [tilespmem:v53+s17+$0x0], $0xffff  }
0x1dc: {  	v19 =	vadd.f32 v56, v19;
	v20 =	vmul.f32 v10, v20;
	v18 =	vld.idx.msk [tilespmem:v22+s18+$0x0], $0xffff;
	[tilespmem:s29+$0x0] =	vst v17  }
0x1dd: {  	v58 =	vor.u32 $0x1, v26;
	v17 =	vld.idx.msk [tilespmem:v30+s16+$0x0], $0xffff  }
0x1de: {  	v36 =	vmul.f32 v12, v54;
	v19 =	vadd.f32 v20, v19;
	v16 =	vmul.f32 v16, v25;
	v20 =	vld.idx.msk [tilespmem:v30+s15+$0x0], $0xffff  }
0x1df: {  	s5 =	simm.s32 $0x20;
	v59 =	vld.idx.msk [tilespmem:v30+s17+$0x0], $0xffff  }
0x1e0: {  	s4 =	sand.u32 $0x60, s5;
	v22 =	vld.idx.msk [tilespmem:v53+s15+$0x0], $0xffff;
	v19 =	vadd.f32 v36, v19;
	v16 =	vadd.f32 v16, v31;
	v31 =	vmul.f32 v55, v24  }
0x1e1: {  	s30 =	sor.u32 s4, s1;
	v30 =	vld.idx.msk [tilespmem:v30+s18+$0x0], $0xffff;
	v18 =	vmul.f32 v18, v21  }
0x1e2: {  	[tilespmem:s30+$0x0] =	vst v19;
	v19 =	vld.idx.msk [tilespmem:v53+s18+$0x0], $0xffff;
	v16 =	vadd.f32 v31, v16;
	v31 =	vor.u32 $0x6, v15;
	v17 =	vmul.f32 v17, v29  }
0x1e3: {  	v61 =	vld.idx.msk [tilespmem:v58+s16+$0x0], $0xffff  }
0x1e4: {  	v63 =	vld.idx.msk [tilespmem:v58+s17+$0x0], $0xffff;
	v16 =	vadd.f32 v18, v16;
	v17 =	vadd.f32 v17, v20;
	v20 =	vmul.f32 v59, v28  }
0x1e5: {  	v62 =	vmul.f32 v57, v23;
	v43 =	vld.idx.msk [tilespmem:v58+s18+$0x0], $0xffff  }
0x1e6: {  	v18 =	vld.idx.msk [tilespmem:v58+s15+$0x0], $0xffff;
	[tilespmem:s2+$0x280] =	vst v16;
	v17 =	vadd.f32 v20, v17;
	v20 =	vmul.f32 v30, v11;
	v30 =	vor.u32 $0x2, v27  }
0x1e7: {  	v40 =	vmul.f32 v60, v8;
	v22 =	vadd.f32 v62, v22;
	v16 =	vld.idx.msk [tilespmem:v31+s16+$0x0], $0xffff  }
0x1e8: {  	v41 =	vld.idx.msk [tilespmem:v31+s15+$0x0], $0xffff;
	v17 =	vadd.f32 v20, v17  }
0x1e9: {  	v22 =	vadd.f32 v40, v22;
	v19 =	vmul.f32 v19, v9;
	v42 =	vld.idx.msk [tilespmem:v31+s17+$0x0], $0xffff  }
0x1ea: {  	v31 =	vld.idx.msk [tilespmem:v31+s18+$0x0], $0xffff;
	[tilespmem:s29+$0x80] =	vst v17  }
0x1eb: {  	v44 =	vmul.f32 v61, v13;
	v20 =	vor.u32 $0x5, v14;
	v17 =	vadd.f32 v19, v22;
	v19 =	vld.idx.msk [tilespmem:v30+s16+$0x0], $0xffff  }
0x1ec: {  	v16 =	vmul.f32 v16, v25;
	v45 =	vld.idx.msk [tilespmem:v30+s15+$0x0], $0xffff  }
0x1ed: {  	v18 =	vadd.f32 v44, v18;
	v22 =	vmul.f32 v63, v10;
	v46 =	vld.idx.msk [tilespmem:v30+s17+$0x0], $0xffff  }
0x1ee: {  	v30 =	vld.idx.msk [tilespmem:v30+s18+$0x0], $0xffff;
	v16 =	vadd.f32 v16, v41  }
0x1ef: {  	[tilespmem:s28+$0x200] =	vst v17;
	v17 =	vmul.f32 v42, v24;
	v18 =	vadd.f32 v22, v18;
	v22 =	vmul.f32 v43, v12  }
0x1f0: {  	v47 =	vor.u32 $0x2, v26;
	v48 =	vld.idx.msk [tilespmem:v20+s16+$0x0], $0xffff  }
0x1f1: {  	v16 =	vadd.f32 v17, v16;
	v17 =	vmul.f32 v31, v21;
	v18 =	vadd.f32 v22, v18;
	v22 =	vld.idx.msk [tilespmem:v20+s17+$0x0], $0xffff  }
0x1f2: {  	v49 =	vld.idx.msk [tilespmem:v20+s15+$0x0], $0xffff;
	v19 =	vmul.f32 v19, v29  }
0x1f3: {  	v15 =	vor.u32 $0x7, v15;
	v16 =	vadd.f32 v17, v16  }
0x1f4: {  	[tilespmem:s30+$0x80] =	vst v18;
	v17 =	vld.idx.msk [tilespmem:v20+s18+$0x0], $0xffff;
	v18 =	vadd.f32 v19, v45;
	v19 =	vmul.f32 v46, v28  }
0x1f5: {  	v20 =	vld.idx.msk [tilespmem:v47+s16+$0x0], $0xffff;
	v50 =	vmul.f32 v48, v23  }
0x1f6: {  	v51 =	vld.idx.msk [tilespmem:v47+s15+$0x0], $0xffff;
	[tilespmem:s2+$0x300] =	vst v16;
	v22 =	vmul.f32 v22, v8;
	v16 =	vadd.f32 v19, v18  }
0x1f7: {  	v52 =	vld.idx.msk [tilespmem:v47+s18+$0x0], $0xffff;
	v18 =	vmul.f32 v30, v11;
	v19 =	vor.u32 $0x3, v27;
	v32 =	vadd.f32 v50, v49  }
0x1f8: {  	v31 =	vld.idx.msk [tilespmem:v15+s16+$0x0], $0xffff  }
0x1f9: {  	v33 =	vld.idx.msk [tilespmem:v15+s17+$0x0], $0xffff;
	v17 =	vmul.f32 v17, v9;
	v16 =	vadd.f32 v18, v16;
	v22 =	vadd.f32 v22, v32  }
0x1fa: {  	s6 =	simm.s32 $0x12D0;
	v18 =	vld.idx.msk [tilespmem:v47+s17+$0x0], $0xffff  }
0x1fb: {  	[tilespmem:s29+$0x100] =	vst v16;
	v17 =	vadd.f32 v17, v22;
	v22 =	vld [tilespmem:s6+$0x0]  }
0x1fc: {  	v53 =	vor.u32 $0x6, v14;
	v16 =	vld.idx.msk [tilespmem:v19+s16+$0x0], $0xffff  }
0x1fd: {  	v54 =	vld.idx.msk [tilespmem:v19+s15+$0x0], $0xffff  }
0x1fe: {  	v20 =	vmul.f32 v20, v13;
	v55 =	vld.idx.msk [tilespmem:v19+s17+$0x0], $0xffff  }
0x1ff: {  	v19 =	vld.idx.msk [tilespmem:v19+s18+$0x0], $0xffff  }
0x200: {  	v20 =	vadd.f32 v20, v51;
	[tilespmem:s28+$0x280] =	vst v17;
	v17 =	vmul.f32 v18, v10;
	v18 =	vld [tilespmem:s6+$0xFFFFFFF0]  }
0x201: {  	v58 =	vld.idx.msk [tilespmem:v53+s16+$0x0], $0xffff;
	v16 =	vmul.f32 v16, v29  }
0x202: {  	v56 =	vor.u32 $0x3, v26;
	v57 =	vmul.f32 v52, v12;
	v60 =	vld.idx.msk [tilespmem:v53+s17+$0x0], $0xffff;
	v17 =	vadd.f32 v17, v20  }
0x203: {  	v20 =	vld.idx.msk [tilespmem:v53+s15+$0x0], $0xffff;
	v59 =	vmul.f32 v55, v28;
	v16 =	vadd.f32 v16, v54  }
0x204: {  	v61 =	vld.idx.msk [tilespmem:v53+s18+$0x0], $0xffff;
	v22 =	vmul.f32 $4.000000000e+00, v22;
	v17 =	vadd.f32 v57, v17  }
0x205: {  	v62 =	vor.u32 $0x4, v27;
	v34 =	vld.idx.msk [tilespmem:v15+s18+$0x0], $0xffff;
	v19 =	vmul.f32 v19, v11;
	v16 =	vadd.f32 v59, v16  }
0x206: {  	v30 =	vld.idx.msk [tilespmem:v15+s15+$0x0], $0xffff;
	v15 =	vtrunc.f32 v22;
	[tilespmem:s30+$0x100] =	vst v17;
	v17 =	vmul.f32 v58, v23  }
0x207: {  	v15 =	vcvt.f32.s32 v15;
	v63 =	vld.idx.msk [tilespmem:v56+s16+$0x0], $0xffff;
	v16 =	vadd.f32 v19, v16  }
0x208: {  	v18 =	vmul.f32 $4.000000000e+00, v18;
	v46 =	vld.idx.msk [tilespmem:v56+s17+$0x0], $0xffff;
	v17 =	vadd.f32 v17, v20;
	v20 =	vmul.f32 v60, v8  }
0x209: {  	v14 =	vor.u32 $0x7, v14;
	v32 =	vmul.f32 v61, v9;
	vm14 =	vlt.s32 v15, $0x3;
	v37 =	vld.idx.msk [tilespmem:v56+s18+$0x0], $0xffff;
	[tilespmem:s29+$0x180] =	vst v16  }
0x20a: {  	v45 =	vtrunc.f32 v18;
	v15 =	vnsel vm14, $0x3, v15;
	v20 =	vadd.f32 v20, v17;
	v16 =	vld.idx.msk [tilespmem:v62+s16+$0x0], $0xffff  }
0x20b: {  	v47 =	vcvt.f32.s32 v45;
	v17 =	vshll.u32 v15, $0x3;
	v48 =	vld.idx.msk [tilespmem:v62+s15+$0x0], $0xffff  }
0x20c: {  	v41 =	vld.idx.msk [tilespmem:v62+s17+$0x0], $0xffff;
	v20 =	vadd.f32 v32, v20  }
0x20d: {  	v19 =	vld.idx.msk [tilespmem:v56+s15+$0x0], $0xffff;
	vm15 =	vlt.s32 v47, $0x3  }
0x20e: {  	v42 =	vnsel vm15, $0x3, v47;
	v35 =	vld.idx.msk [tilespmem:v62+s18+$0x0], $0xffff;
	[tilespmem:s28+$0x300] =	vst v20  }
0x20f: {  	v32 =	vshll.u32 v42, $0x3;
	v36 =	vld.idx.msk [tilespmem:v14+s16+$0x0], $0xffff;
	v16 =	vmul.f32 v16, v29  }
0x210: {  	v20 =	vmul.f32 v63, v13;
	v49 =	vld.idx.msk [tilespmem:v17+s16+$0x0], $0xffff  }
0x211: {  	v43 =	vld.idx.msk [tilespmem:v17+s15+$0x0], $0xffff;
	v50 =	vmul.f32 v41, v28;
	v16 =	vadd.f32 v16, v48  }
0x212: {  	v53 =	vor.u32 $0x5, v27;
	v15 =	vcvt.s32.f32 v15;
	v51 =	vld.idx.msk [tilespmem:v17+s17+$0x0], $0xffff;
	v19 =	vadd.f32 v20, v19  }
0x213: {  	v44 =	vld.idx.msk [tilespmem:v17+s18+$0x0], $0xffff;
	v20 =	vmul.f32 v46, v10;
	v35 =	vmul.f32 v35, v11;
	v16 =	vadd.f32 v50, v16  }
0x214: {  	v15 =	vsub.f32 v22, v15;
	v52 =	vld.idx.msk [tilespmem:v32+s16+$0x0], $0xffff  }
0x215: {  	v54 =	vld.idx.msk [tilespmem:v32+s15+$0x0], $0xffff;
	v19 =	vadd.f32 v20, v19;
	v20 =	vadd.f32 v35, v16  }
0x216: {  	v22 =	vmul.f32 v37, v12;
	v45 =	vld.idx.msk [tilespmem:v32+s17+$0x0], $0xffff  }
0x217: {  	v46 =	vld.idx.msk [tilespmem:v32+s18+$0x0], $0xffff;
	v38 =	vmul.f32 v15, v49;
	v35 =	vor.u32 $0x4, v26;
	v16 =	vmul.f32 v15, v15;
	[tilespmem:s29+$0x200] =	vst v20  }
0x218: {  	v42 =	vcvt.s32.f32 v42;
	v19 =	vadd.f32 v22, v19;
	v56 =	vld.idx.msk [tilespmem:v53+s16+$0x0], $0xffff  }
0x219: {  	v22 =	vmul.f32 v16, v15;
	v20 =	vadd.f32 v38, v43;
	v55 =	vmul.f32 v16, v51;
	v57 =	vld.idx.msk [tilespmem:v53+s15+$0x0], $0xffff  }
0x21a: {  	v18 =	vsub.f32 v18, v42;
	v60 =	vld.idx.msk [tilespmem:v53+s17+$0x0], $0xffff  }
0x21b: {  	s1 =	simm.s32 $0x200;
	v59 =	vor.u32 $0x1, v17;
	[tilespmem:s30+$0x180] =	vst v19;
	v39 =	vld.idx.msk [tilespmem:v53+s18+$0x0], $0xffff;
	v20 =	vadd.f32 v55, v20;
	v58 =	vmul.f32 v22, v44  }
0x21c: {  	s12 =	simm.s32 $0x50;
	s10 =	sand.u32 $0x7C00, s1;
	v19 =	vmul.f32 v18, v18;
	v41 =	vmul.f32 v18, v52;
	v47 =	vld.idx.msk [tilespmem:v35+s16+$0x0], $0xffff  }
0x21d: {  	s11 =	sand.u32 $0x70, s12;
	s4 =	sadd.s32 $0xA280, s10;
	v62 =	vld.idx.msk [tilespmem:v35+s15+$0x0], $0xffff;
	v38 =	vadd.f32 v58, v20  }
0x21e: {  	s5 =	sor.u32 s11, s4;
	v37 =	vadd.f32 v41, v54;
	v61 =	vmul.f32 v19, v45;
	v63 =	vld.idx.msk [tilespmem:v35+s17+$0x0], $0xffff;
	v20 =	vmul.f32 v19, v18  }
0x21f: {  	v48 =	vor.u32 $0x1, v32;
	v35 =	vld.idx.msk [tilespmem:v35+s18+$0x0], $0xffff;
	[tilespmem:s5+$0x0] =	vst v38  }
0x220: {  	v37 =	vadd.f32 v61, v37;
	v40 =	vmul.f32 v56, v29;
	v46 =	vmul.f32 v20, v46;
	v52 =	vld.idx.msk [tilespmem:v59+s16+$0x0], $0xffff  }
0x221: {  	s6 =	simm.s32 $0x40;
	v49 =	vld.idx.msk [tilespmem:v59+s15+$0x0], $0xffff  }
0x222: {  	s6 =	sand.u32 $0x60, s6;
	v53 =	vmul.f32 v60, v28;
	v54 =	vld.idx.msk [tilespmem:v59+s17+$0x0], $0xffff;
	v40 =	vadd.f32 v40, v57;
	v37 =	vadd.f32 v46, v37  }
0x223: {  	s31 =	sor.u32 s6, s4;
	v39 =	vmul.f32 v39, v11;
	v55 =	vld.idx.msk [tilespmem:v59+s18+$0x0], $0xffff  }
0x224: {  	v42 =	vor.u32 $0x6, v27;
	v56 =	vmul.f32 v47, v13;
	v46 =	vld.idx.msk [tilespmem:v14+s15+$0x0], $0xffff;
	v40 =	vadd.f32 v53, v40;
	[tilespmem:s31+$0x0] =	vst v37  }
0x225: {  	v57 =	vld.idx.msk [tilespmem:v48+s16+$0x0], $0xffff  }
0x226: {  	v38 =	vmul.f32 v63, v10;
	v43 =	vadd.f32 v56, v62;
	v58 =	vld.idx.msk [tilespmem:v48+s15+$0x0], $0xffff;
	v39 =	vadd.f32 v39, v40  }
0x227: {  	v35 =	vmul.f32 v35, v12;
	v59 =	vld.idx.msk [tilespmem:v48+s17+$0x0], $0xffff;
	v41 =	vmul.f32 v52, v15  }
0x228: {  	v47 =	vor.u32 $0x5, v26;
	v61 =	vmul.f32 v54, v16;
	v38 =	vadd.f32 v38, v43;
	v54 =	vld.idx.msk [tilespmem:v48+s18+$0x0], $0xffff;
	[tilespmem:s29+$0x280] =	vst v39  }
0x229: {  	v60 =	vadd.f32 v41, v49;
	v62 =	vld.idx.msk [tilespmem:v42+s16+$0x0], $0xffff  }
0x22a: {  	v35 =	vadd.f32 v35, v38;
	v63 =	vld.idx.msk [tilespmem:v42+s15+$0x0], $0xffff  }
0x22b: {  	v37 =	vmul.f32 v55, v22;
	v52 =	vor.u32 $0x2, v17;
	v53 =	vld.idx.msk [tilespmem:v42+s17+$0x0], $0xffff;
	v39 =	vadd.f32 v61, v60  }
0x22c: {  	v55 =	vld.idx.msk [tilespmem:v42+s18+$0x0], $0xffff;
	[tilespmem:s30+$0x200] =	vst v35  }
0x22d: {  	v56 =	vmul.f32 v57, v18;
	v35 =	vld.idx.msk [tilespmem:v47+s16+$0x0], $0xffff;
	v37 =	vadd.f32 v37, v39  }
0x22e: {  	v49 =	vld.idx.msk [tilespmem:v47+s15+$0x0], $0xffff  }
0x22f: {  	v40 =	vadd.f32 v56, v58;
	v58 =	vmul.f32 v59, v19;
	[tilespmem:s5+$0x80] =	vst v37;
	v57 =	vmul.f32 v62, v29  }
0x230: {  	v38 =	vmul.f32 v54, v20;
	v61 =	vmul.f32 v53, v28;
	v59 =	vld.idx.msk [tilespmem:v52+s16+$0x0], $0xffff  }
0x231: {  	v62 =	vor.u32 $0x2, v32;
	v40 =	vadd.f32 v58, v40;
	v60 =	vld.idx.msk [tilespmem:v52+s15+$0x0], $0xffff;
	v37 =	vadd.f32 v57, v63  }
0x232: {  	v25 =	vmul.f32 v31, v25;
	v27 =	vor.u32 $0x7, v27;
	v63 =	vld.idx.msk [tilespmem:v52+s17+$0x0], $0xffff  }
0x233: {  	v31 =	vld.idx.msk [tilespmem:v47+s17+$0x0], $0xffff;
	v39 =	vmul.f32 v55, v11;
	v38 =	vadd.f32 v38, v40;
	v37 =	vadd.f32 v61, v37  }
0x234: {  	v50 =	vld.idx.msk [tilespmem:v52+s18+$0x0], $0xffff  }
0x235: {  	v52 =	vld.idx.msk [tilespmem:v47+s18+$0x0], $0xffff;
	[tilespmem:s31+$0x80] =	vst v38;
	v37 =	vadd.f32 v39, v37;
	v51 =	vmul.f32 v59, v15  }
0x236: {  	v24 =	vmul.f32 v33, v24;
	v25 =	vadd.f32 v25, v30;
	v53 =	vld.idx.msk [tilespmem:v62+s16+$0x0], $0xffff  }
0x237: {  	v38 =	vld.idx.msk [tilespmem:v62+s17+$0x0], $0xffff;
	v54 =	vmul.f32 v63, v16;
	[tilespmem:s29+$0x300] =	vst v37;
	v30 =	vadd.f32 v51, v60  }
0x238: {  	v34 =	vmul.f32 v34, v21;
	v25 =	vadd.f32 v24, v25;
	v21 =	vmul.f32 v35, v13;
	v55 =	vld.idx.msk [tilespmem:v27+s16+$0x0], $0xffff  }
0x239: {  	v57 =	vmul.f32 v50, v22;
	v37 =	vor.u32 $0x3, v17;
	v56 =	vld.idx.msk [tilespmem:v27+s15+$0x0], $0xffff;
	v30 =	vadd.f32 v54, v30  }
0x23a: {  	v24 =	vor.u32 $0x6, v26;
	v31 =	vmul.f32 v31, v10;
	v59 =	vadd.f32 v21, v49;
	v58 =	vld.idx.msk [tilespmem:v27+s17+$0x0], $0xffff  }
0x23b: {  	v25 =	vadd.f32 v34, v25;
	v21 =	vor.u32 $0x7, v26;
	v60 =	vld.idx.msk [tilespmem:v62+s15+$0x0], $0xffff;
	v26 =	vadd.f32 v57, v30  }
0x23c: {  	v23 =	vmul.f32 v36, v23;
	v61 =	vmul.f32 v52, v12;
	v31 =	vadd.f32 v31, v59;
	v35 =	vld.idx.msk [tilespmem:v27+s18+$0x0], $0xffff  }
0x23d: {  	v39 =	vld.idx.msk [tilespmem:v62+s18+$0x0], $0xffff;
	v27 =	vor.u32 $0x4, v32;
	v62 =	vmul.f32 v53, v18;
	[tilespmem:s5+$0x100] =	vst v26;
	v41 =	vmul.f32 v55, v29  }
0x23e: {  	v63 =	vadd.f32 v61, v31;
	v31 =	vadd.f32 v23, v46;
	v23 =	vor.u32 $0x7, v32;
	v40 =	vld.idx.msk [tilespmem:v37+s16+$0x0], $0xffff  }
0x23f: {  	[tilespmem:s2+$0x380] =	vst v25;
	v30 =	vor.u32 $0x3, v32;
	v28 =	vmul.f32 v58, v28;
	v36 =	vld.idx.msk [tilespmem:v37+s15+$0x0], $0xffff;
	v33 =	vadd.f32 v41, v56  }
0x240: {  	s10 =	simm.s32 $0x12F0;
	s6 =	simm.s32 $0x4;
	s2 =	sor.u32 $0x1000, s26;
	v25 =	vmovc v21;
	[tilespmem:s30+$0x280] =	vst v63;
	v34 =	vadd.f32 v62, v60;
	v26 =	vor.u32 $0x5, v32;
	v29 =	vor.u32 $0x6, v32;
	v32 =	vld.idx.msk [tilespmem:v37+s17+$0x0], $0xffff  }
.LBB2_5:
0x241: {  	v41 =	vld [tilespmem:s10+$0x0];
	v28 =	vadd.f32 v28, v33;
	v33 =	vmul.f32 v35, v11;
	v11 =	vmov v22  }
0x242: {  	v22 =	vmul.f32 v38, v19;
	v35 =	vld.idx.msk [tilespmem:v37+s18+$0x0], $0xffff  }
0x243: {  	s6 =	sadd.s32 $0x2, s6;
	v38 =	vmul.f32 v39, v20;
	v37 =	vld [tilespmem:s10+$0xFFFFFFF0];
	v28 =	vadd.f32 v33, v28  }
0x244: {  	p0 =	slt.u32 s6, $0xFE;
	v22 =	vadd.f32 v22, v34;
	v33 =	vmul.f32 v40, v15;
	v34 =	vld.idx.msk [tilespmem:v24+s16+$0x0], $0xffff  }
0x245: {  	v39 =	vld.idx.msk [tilespmem:v24+s15+$0x0], $0xffff;
	[tilespmem:s29+$0x380] =	vst v28;
	s29 =	smov.u32 s5  }
0x246: {  	v22 =	vadd.f32 v38, v22;
	v28 =	vadd.f32 v33, v36;
	v32 =	vmul.f32 v32, v16;
	v33 =	vld.idx.msk [tilespmem:v24+s17+$0x0], $0xffff  }
0x247: {  	v38 =	vmul.f32 $4.000000000e+00, v41;
	v36 =	vld.idx.msk [tilespmem:v24+s18+$0x0], $0xffff;
	v24 =	vmov v29  }
0x248: {  	v29 =	vor.u32 $0x4, v17;
	[tilespmem:s31+$0x100] =	vst v22;
	v22 =	vadd.f32 v32, v28;
	v28 =	vmul.f32 v35, v11;
	v40 =	vld.idx.msk [tilespmem:v14+s17+$0x0], $0xffff  }
0x249: {  	v35 =	vmul.f32 $4.000000000e+00, v37;
	v37 =	vld.idx.msk [tilespmem:v30+s16+$0x0], $0xffff  }
0x24a: {  	v32 =	vtrunc.f32 v38;
	v41 =	vld.idx.msk [tilespmem:v30+s15+$0x0], $0xffff;
	v22 =	vadd.f32 v28, v22;
	v28 =	vmul.f32 v34, v13  }
0x24b: {  	v32 =	vcvt.f32.s32 v32;
	v34 =	vtrunc.f32 v35;
	v42 =	vld.idx.msk [tilespmem:v30+s17+$0x0], $0xffff  }
0x24c: {  	v34 =	vcvt.f32.s32 v34;
	v43 =	vld.idx.msk [tilespmem:v30+s18+$0x0], $0xffff;
	[tilespmem:s29+$0x180] =	vst v22;
	v22 =	vadd.f32 v28, v39;
	v28 =	vmul.f32 v33, v10  }
0x24d: {  	vm0 =	vlt.s32 v32, $0x3;
	v30 =	vmul.f32 v36, v12;
	v33 =	vld.idx.msk [tilespmem:v29+s16+$0x0], $0xffff  }
0x24e: {  	v39 =	vnsel vm0, $0x3, v32;
	vm1 =	vlt.s32 v34, $0x3;
	v44 =	vld.idx.msk [tilespmem:v29+s15+$0x0], $0xffff;
	v22 =	vadd.f32 v28, v22  }
0x24f: {  	v32 =	vshll.u32 v39, $0x3;
	v28 =	vnsel vm1, $0x3, v34;
	v34 =	vmul.f32 v37, v18;
	v37 =	vld.idx.msk [tilespmem:v29+s17+$0x0], $0xffff  }
0x250: {  	v45 =	vcvt.s32.f32 v28;
	v46 =	vshll.u32 v28, $0x3;
	v22 =	vadd.f32 v30, v22;
	v47 =	vld.idx.msk [tilespmem:v14+s18+$0x0], $0xffff;
	v14 =	vmovc v21;
	v21 =	vmovc v23  }
0x251: {  	v36 =	vor.u32 $0x1, v46;
	v28 =	vor.u32 $0x2, v46;
	v30 =	vor.u32 $0x3, v46;
	v48 =	vld.idx.msk [tilespmem:v29+s18+$0x0], $0xffff  }
0x252: {  	v45 =	vsub.f32 v35, v45;
	v29 =	vadd.f32 v34, v41;
	v34 =	vmul.f32 v42, v19;
	[tilespmem:s30+$0x300] =	vst v22  }
0x253: {  	v41 =	vor.u32 $0x4, v46;
	v22 =	vmul.f32 v43, v20;
	v33 =	vmul.f32 v33, v15;
	v42 =	vld.idx.msk [tilespmem:v25+s16+$0x0], $0xffff;
	v25 =	vmovc v23  }
0x254: {  	v35 =	vor.u32 $0x5, v46;
	v43 =	vmul.f32 v45, v45;
	v23 =	vadd.f32 v34, v29;
	v49 =	vld.idx.msk [tilespmem:v32+s16+$0x0], $0xffff  }
0x255: {  	v29 =	vor.u32 $0x6, v46;
	v33 =	vadd.f32 v33, v44;
	v34 =	vmul.f32 v37, v16;
	v50 =	vld.idx.msk [tilespmem:v32+s15+$0x0], $0xffff  }
0x256: {  	v37 =	vcvt.s32.f32 v39;
	v44 =	vmul.f32 v43, v45;
	v22 =	vadd.f32 v22, v23;
	v39 =	vld.idx.msk [tilespmem:v32+s17+$0x0], $0xffff  }
0x257: {  	v52 =	vor.u32 $0x5, v17;
	v34 =	vadd.f32 v34, v33;
	v48 =	vmul.f32 v48, v11;
	v51 =	vld.idx.msk [tilespmem:v46+s16+$0x0], $0xffff  }
0x258: {  	v53 =	vmul.f32 v40, v8;
	v23 =	vor.u32 $0x7, v46;
	v33 =	vsub.f32 v38, v37;
	v38 =	vld.idx.msk [tilespmem:v32+s18+$0x0], $0xffff;
	[tilespmem:s31+$0x180] =	vst v22  }
0x259: {  	v9 =	vmul.f32 v47, v9;
	v22 =	vadd.f32 v48, v34;
	v37 =	vmul.f32 v42, v13;
	v40 =	vld.idx.msk [tilespmem:v46+s15+$0x0], $0xffff  }
0x25a: {  	v31 =	vadd.f32 v53, v31;
	v34 =	vmul.f32 v33, v33;
	v47 =	vmul.f32 v33, v49;
	v42 =	vld.idx.msk [tilespmem:v46+s17+$0x0], $0xffff  }
0x25b: {  	v8 =	vmovc v10;
	v10 =	vmovc v19;
	v19 =	vmov v43;
	v13 =	vmov v18;
	v18 =	vmov v45;
	v46 =	vld.idx.msk [tilespmem:v46+s18+$0x0], $0xffff;
	[tilespmem:s29+$0x200] =	vst v22  }
0x25c: {  	v22 =	vmul.f32 v34, v33;
	v43 =	vadd.f32 v47, v50;
	v39 =	vmul.f32 v34, v39;
	v45 =	vld.idx.msk [tilespmem:v52+s16+$0x0], $0xffff  }
0x25d: {  	v31 =	vadd.f32 v9, v31;
	v9 =	vmovc v12;
	v12 =	vmov v20;
	v47 =	vmul.f32 v18, v51;
	v48 =	vld.idx.msk [tilespmem:v52+s15+$0x0], $0xffff  }
0x25e: {  	s1 =	sadd.s32 $0x100, s1;
	v20 =	vmovc v44;
	v39 =	vadd.f32 v39, v43;
	v38 =	vmul.f32 v22, v38;
	v43 =	vor.u32 $0x1, v32;
	v49 =	vld.idx.msk [tilespmem:v52+s17+$0x0], $0xffff  }
0x25f: {  	s12 =	sadd.s32 $0x20, s12;
	s4 =	sand.u32 $0x7C00, s1;
	v40 =	vadd.f32 v47, v40;
	v44 =	vld.idx.msk [tilespmem:v27+s16+$0x0], $0xffff;
	[tilespmem:s28+$0x380] =	vst v31;
	s28 =	smov.u32 s30  }
0x260: {  	s4 =	sadd.s32 $0xA280, s4;
	s5 =	sadd.s32 $0xFFFFFFF0, s12;
	v31 =	vmul.f32 v19, v42;
	s30 =	sand.u32 $0x70, s12;
	v38 =	vadd.f32 v38, v39;
	v39 =	vld.idx.msk [tilespmem:v52+s18+$0x0], $0xffff  }
0x261: {  	s11 =	sand.u32 $0x60, s5;
	v42 =	vmul.f32 v20, v46;
	s5 =	sor.u32 s30, s4;
	s30 =	smov.u32 s31;
	v46 =	vld.idx.msk [tilespmem:v27+s15+$0x0], $0xffff  }
0x262: {  	s31 =	sor.u32 s11, s4;
	v31 =	vadd.f32 v31, v40;
	v40 =	vmul.f32 v45, v15;
	[tilespmem:s5+$0x0] =	vst v38;
	v38 =	vld.idx.msk [tilespmem:v27+s17+$0x0], $0xffff  }
0x263: {  	v45 =	vld.idx.msk [tilespmem:v43+s16+$0x0], $0xffff  }
0x264: {  	v31 =	vadd.f32 v42, v31;
	v40 =	vadd.f32 v40, v48;
	v47 =	vmul.f32 v49, v16;
	v42 =	vld.idx.msk [tilespmem:v43+s15+$0x0], $0xffff  }
0x265: {  	v44 =	vmul.f32 v44, v13;
	v48 =	vld.idx.msk [tilespmem:v43+s17+$0x0], $0xffff  }
0x266: {  	v40 =	vadd.f32 v47, v40;
	v39 =	vmul.f32 v39, v11;
	v47 =	vor.u32 $0x6, v17;
	[tilespmem:s31+$0x0] =	vst v31;
	v31 =	vld.idx.msk [tilespmem:v27+s18+$0x0], $0xffff  }
0x267: {  	v44 =	vadd.f32 v44, v46;
	v27 =	vmov v41;
	v43 =	vld.idx.msk [tilespmem:v43+s18+$0x0], $0xffff  }
0x268: {  	v38 =	vmul.f32 v38, v10;
	v39 =	vadd.f32 v39, v40;
	v41 =	vld.idx.msk [tilespmem:v36+s16+$0x0], $0xffff  }
0x269: {  	v45 =	vmul.f32 v45, v33;
	v40 =	vld.idx.msk [tilespmem:v36+s15+$0x0], $0xffff  }
0x26a: {  	v38 =	vadd.f32 v38, v44;
	v46 =	vld.idx.msk [tilespmem:v36+s17+$0x0], $0xffff;
	[tilespmem:s29+$0x280] =	vst v39  }
0x26b: {  	v39 =	vadd.f32 v45, v42;
	v42 =	vmul.f32 v48, v34;
	v44 =	vld.idx.msk [tilespmem:v47+s16+$0x0], $0xffff  }
0x26c: {  	v31 =	vmul.f32 v31, v12;
	v45 =	vld.idx.msk [tilespmem:v47+s15+$0x0], $0xffff  }
0x26d: {  	v39 =	vadd.f32 v42, v39;
	v42 =	vmul.f32 v43, v22;
	v43 =	vor.u32 $0x2, v32;
	v48 =	vld.idx.msk [tilespmem:v47+s17+$0x0], $0xffff  }
0x26e: {  	v41 =	vmul.f32 v41, v18;
	v31 =	vadd.f32 v31, v38;
	v36 =	vld.idx.msk [tilespmem:v36+s18+$0x0], $0xffff  }
0x26f: {  	v38 =	vadd.f32 v42, v39;
	v39 =	vld.idx.msk [tilespmem:v47+s18+$0x0], $0xffff  }
0x270: {  	v40 =	vadd.f32 v41, v40;
	v41 =	vmul.f32 v46, v19;
	[tilespmem:s30+$0x200] =	vst v31;
	v31 =	vld.idx.msk [tilespmem:v14+s15+$0x0], $0xffff  }
0x271: {  	v42 =	vmul.f32 v44, v15;
	[tilespmem:s5+$0x80] =	vst v38;
	v38 =	vld.idx.msk [tilespmem:v26+s16+$0x0], $0xffff  }
0x272: {  	v40 =	vadd.f32 v41, v40;
	v41 =	vld.idx.msk [tilespmem:v43+s16+$0x0], $0xffff  }
0x273: {  	v42 =	vadd.f32 v42, v45;
	v45 =	vmul.f32 v48, v16;
	v44 =	vld.idx.msk [tilespmem:v43+s15+$0x0], $0xffff  }
0x274: {  	v36 =	vmul.f32 v36, v20;
	v46 =	vld.idx.msk [tilespmem:v43+s17+$0x0], $0xffff  }
0x275: {  	v42 =	vadd.f32 v45, v42;
	v39 =	vmul.f32 v39, v11;
	v45 =	vor.u32 $0x7, v17;
	v17 =	vmovc v32;
	v47 =	vld.idx.msk [tilespmem:v26+s15+$0x0], $0xffff  }
0x276: {  	v32 =	vadd.f32 v36, v40;
	v31 =	vadd.f32 v37, v31;
	v36 =	vld.idx.msk [tilespmem:v43+s18+$0x0], $0xffff  }
0x277: {  	v37 =	vmul.f32 v38, v13;
	v38 =	vadd.f32 v39, v42;
	v40 =	vld.idx.msk [tilespmem:v26+s17+$0x0], $0xffff  }
0x278: {  	[tilespmem:s31+$0x80] =	vst v32;
	v32 =	vmul.f32 v41, v33;
	v39 =	vld.idx.msk [tilespmem:v26+s18+$0x0], $0xffff;
	v26 =	vmov v35  }
0x279: {  	v41 =	vld.idx.msk [tilespmem:v28+s16+$0x0], $0xffff;
	[tilespmem:s29+$0x300] =	vst v38  }
0x27a: {  	v35 =	vmul.f32 v46, v34;
	v32 =	vadd.f32 v32, v44;
	v42 =	vld.idx.msk [tilespmem:v45+s16+$0x0], $0xffff  }
0x27b: {  	v43 =	vadd.f32 v37, v47;
	v44 =	vld.idx.msk [tilespmem:v45+s15+$0x0], $0xffff  }
0x27c: {  	v37 =	vor.u32 $0x3, v17;
	v32 =	vadd.f32 v35, v32;
	v35 =	vmul.f32 v36, v22;
	v46 =	vld.idx.msk [tilespmem:v45+s17+$0x0], $0xffff  }
0x27d: {  	v36 =	vmul.f32 v40, v10;
	v47 =	vld.idx.msk [tilespmem:v28+s15+$0x0], $0xffff  }
0x27e: {  	v48 =	vmul.f32 v39, v12;
	v32 =	vadd.f32 v35, v32;
	v35 =	vld.idx.msk [tilespmem:v45+s18+$0x0], $0xffff  }
.Ltmp3:
0x27f: {  	v41 =	vmul.f32 v41, v18;
	v36 =	vadd.f32 v36, v43;
	v38 =	vld.idx.msk [tilespmem:v28+s17+$0x0], $0xffff;
	(pc) =	sbr.rel @p0 .LBB2_5-.Ltmp3, $4  }
0x280: {  	v39 =	vld.idx.msk [tilespmem:v28+s18+$0x0], $0xffff;
	[tilespmem:s5+$0x100] =	vst v32;
	v28 =	vmul.f32 v42, v15;
	v15 =	vmov v33  }
0x281: {  	v42 =	vadd.f32 v48, v36;
	v40 =	vld.idx.msk [tilespmem:v37+s16+$0x0], $0xffff  }
0x282: {  	v36 =	vld.idx.msk [tilespmem:v37+s15+$0x0], $0xffff;
	v33 =	vadd.f32 v28, v44;
	v28 =	vmul.f32 v46, v16;
	v16 =	vmov v34  }
0x283: {  	s10 =	sadd.s32 $0x20, s10;
	v34 =	vadd.f32 v41, v47;
	v32 =	vld.idx.msk [tilespmem:v37+s17+$0x0], $0xffff;
	[tilespmem:s30+$0x280] =	vst v42  }
0x284: {  	v38 =	vmul.f32 v38, v19;
	_ =	sdelay $0x1  }
0x285: {  	v39 =	vmul.f32 v39, v20;
	v34 =	vadd.f32 v38, v34;
	_ =	sdelay $0x1  }
0x286: {  	v34 =	vadd.f32 v39, v34;
	_ =	sdelay $0x1  }
0x287: {  	v37 =	vld.idx.msk [tilespmem:v37+s18+$0x0], $0xffff;
	[tilespmem:s31+$0x100] =	vst v34  }
0x288: {  	v45 =	vld.idx.msk [tilespmem:v30+s16+$0x0], $0xffff  }
0x289: {  	v44 =	vmul.f32 v40, v15;
	v46 =	vld.idx.msk [tilespmem:v30+s15+$0x0], $0xffff  }
0x28a: {  	v47 =	vld.idx.msk [tilespmem:v30+s17+$0x0], $0xffff  }
0x28b: {  	v32 =	vmul.f32 v32, v16;
	v34 =	vadd.f32 v44, v36  }
0x28c: {  	v49 =	vor.u32 $0x4, v17;
	v50 =	vld.idx.msk [tilespmem:v30+s18+$0x0], $0xffff  }
0x28d: {  	v48 =	vmul.f32 v37, v22;
	v32 =	vadd.f32 v32, v34;
	v38 =	vmul.f32 v45, v18;
	_ =	sdelay $0x1  }
0x28e: {  	v32 =	vadd.f32 v48, v32;
	v36 =	vmul.f32 v47, v19;
	v51 =	vadd.f32 v38, v46;
	_ =	sdelay $0x1  }
0x28f: {  	[tilespmem:s5+$0x180] =	vst v32;
	v30 =	vmul.f32 v50, v20;
	v34 =	vadd.f32 v36, v51  }
0x290: {  	v32 =	vld.idx.msk [tilespmem:v49+s16+$0x0], $0xffff  }
0x291: {  	v52 =	vld.idx.msk [tilespmem:v49+s15+$0x0], $0xffff;
	v30 =	vadd.f32 v30, v34  }
0x292: {  	v53 =	vld.idx.msk [tilespmem:v49+s17+$0x0], $0xffff  }
0x293: {  	v54 =	vld.idx.msk [tilespmem:v49+s18+$0x0], $0xffff;
	[tilespmem:s31+$0x180] =	vst v30  }
0x294: {  	v56 =	vld.idx.msk [tilespmem:v27+s16+$0x0], $0xffff  }
0x295: {  	v55 =	vmul.f32 v32, v15;
	v57 =	vld.idx.msk [tilespmem:v27+s15+$0x0], $0xffff  }
0x296: {  	v59 =	vld.idx.msk [tilespmem:v27+s17+$0x0], $0xffff  }
0x297: {  	v58 =	vmul.f32 v53, v16;
	v30 =	vadd.f32 v55, v52  }
0x298: {  	v60 =	vor.u32 $0x5, v17;
	v61 =	vld.idx.msk [tilespmem:v27+s18+$0x0], $0xffff  }
0x299: {  	v34 =	vmul.f32 v54, v22;
	v30 =	vadd.f32 v58, v30;
	v32 =	vmul.f32 v56, v18;
	_ =	sdelay $0x1  }
0x29a: {  	v30 =	vadd.f32 v34, v30;
	v62 =	vmul.f32 v59, v19;
	v32 =	vadd.f32 v32, v57;
	_ =	sdelay $0x1  }
0x29b: {  	[tilespmem:s5+$0x200] =	vst v30;
	v27 =	vmul.f32 v61, v20;
	v32 =	vadd.f32 v62, v32  }
0x29c: {  	v30 =	vld.idx.msk [tilespmem:v60+s16+$0x0], $0xffff  }
0x29d: {  	v63 =	vld.idx.msk [tilespmem:v60+s15+$0x0], $0xffff;
	v27 =	vadd.f32 v27, v32  }
0x29e: {  	v40 =	vld.idx.msk [tilespmem:v60+s17+$0x0], $0xffff  }
0x29f: {  	v41 =	vld.idx.msk [tilespmem:v60+s18+$0x0], $0xffff;
	[tilespmem:s31+$0x200] =	vst v27  }
0x2a0: {  	v43 =	vld.idx.msk [tilespmem:v26+s16+$0x0], $0xffff  }
0x2a1: {  	v42 =	vmul.f32 v30, v15;
	v44 =	vld.idx.msk [tilespmem:v26+s15+$0x0], $0xffff  }
0x2a2: {  	v46 =	vld.idx.msk [tilespmem:v26+s17+$0x0], $0xffff  }
0x2a3: {  	v45 =	vmul.f32 v40, v16;
	v27 =	vadd.f32 v42, v63  }
0x2a4: {  	v47 =	vor.u32 $0x6, v17;
	v48 =	vld.idx.msk [tilespmem:v26+s18+$0x0], $0xffff  }
0x2a5: {  	v32 =	vmul.f32 v41, v22;
	v27 =	vadd.f32 v45, v27;
	v30 =	vmul.f32 v43, v18  }
0x2a6: {  	v50 =	vld.idx.msk [tilespmem:v24+s15+$0x0], $0xffff  }
0x2a7: {  	v49 =	vld.idx.msk [tilespmem:v24+s16+$0x0], $0xffff;
	v27 =	vadd.f32 v32, v27;
	v52 =	vmul.f32 v46, v19;
	v30 =	vadd.f32 v30, v44  }
0x2a8: {  	v51 =	vld.idx.msk [tilespmem:v24+s17+$0x0], $0xffff  }
0x2a9: {  	v53 =	vld.idx.msk [tilespmem:v24+s18+$0x0], $0xffff;
	[tilespmem:s5+$0x280] =	vst v27;
	v26 =	vmul.f32 v48, v20;
	v30 =	vadd.f32 v52, v30  }
0x2aa: {  	v27 =	vld.idx.msk [tilespmem:v47+s16+$0x0], $0xffff  }
0x2ab: {  	v54 =	vld.idx.msk [tilespmem:v47+s15+$0x0], $0xffff;
	v26 =	vadd.f32 v26, v30  }
0x2ac: {  	v55 =	vmul.f32 v49, v13;
	v56 =	vld.idx.msk [tilespmem:v47+s17+$0x0], $0xffff  }
0x2ad: {  	v34 =	vld.idx.msk [tilespmem:v47+s18+$0x0], $0xffff;
	[tilespmem:s31+$0x280] =	vst v26  }
0x2ae: {  	v57 =	vadd.f32 v55, v50;
	v32 =	vmul.f32 v51, v10;
	v59 =	vld.idx.msk [tilespmem:v29+s16+$0x0], $0xffff  }
0x2af: {  	v60 =	vld.idx.msk [tilespmem:v29+s15+$0x0], $0xffff  }
0x2b0: {  	v24 =	vmul.f32 v53, v12;
	v58 =	vmul.f32 v27, v15;
	v30 =	vadd.f32 v32, v57;
	v62 =	vld.idx.msk [tilespmem:v29+s17+$0x0], $0xffff;
	_ =	sdelay $0x1  }
0x2b1: {  	v61 =	vmul.f32 v56, v16;
	v26 =	vadd.f32 v58, v54;
	v24 =	vadd.f32 v24, v30;
	v38 =	vld.idx.msk [tilespmem:v29+s18+$0x0], $0xffff  }
0x2b2: {  	v39 =	vld.idx.msk [tilespmem:v14+s17+$0x0], $0xffff;
	v27 =	vmul.f32 v59, v18  }
0x2b3: {  	v36 =	vor.u32 $0x7, v17;
	v40 =	vld.idx.msk [tilespmem:v14+s18+$0x0], $0xffff;
	v63 =	vmul.f32 v34, v22;
	v26 =	vadd.f32 v61, v26;
	[tilespmem:s30+$0x300] =	vst v24  }
0x2b4: {  	v25 =	vld.idx.msk [tilespmem:v25+s16+$0x0], $0xffff;
	v43 =	vmul.f32 v62, v19;
	v42 =	vadd.f32 v27, v60  }
0x2b5: {  	v44 =	vld.idx.msk [tilespmem:v21+s15+$0x0], $0xffff;
	v41 =	vadd.f32 v63, v26  }
0x2b6: {  	v47 =	vld.idx.msk [tilespmem:v21+s17+$0x0], $0xffff;
	v29 =	vmul.f32 v38, v20;
	v26 =	vadd.f32 v43, v42  }
0x2b7: {  	v51 =	vld.idx.msk [tilespmem:v21+s18+$0x0], $0xffff;
	[tilespmem:s5+$0x300] =	vst v41  }
0x2b8: {  	v24 =	vld.idx.msk [tilespmem:v36+s16+$0x0], $0xffff;
	v26 =	vadd.f32 v29, v26  }
0x2b9: {  	v45 =	vld.idx.msk [tilespmem:v36+s15+$0x0], $0xffff  }
0x2ba: {  	v46 =	vld.idx.msk [tilespmem:v36+s17+$0x0], $0xffff;
	[tilespmem:s31+$0x300] =	vst v26  }
0x2bb: {  	v8 =	vmul.f32 v39, v8;
	v26 =	vld.idx.msk [tilespmem:v23+s16+$0x0], $0xffff  }
0x2bc: {  	v48 =	vld.idx.msk [tilespmem:v23+s15+$0x0], $0xffff  }
0x2bd: {  	v8 =	vadd.f32 v8, v31;
	v9 =	vmul.f32 v40, v9;
	v50 =	vld.idx.msk [tilespmem:v23+s17+$0x0], $0xffff  }
0x2be: {  	v28 =	vadd.f32 v28, v33;
	v17 =	vld.idx.msk [tilespmem:v36+s18+$0x0], $0xffff;
	v52 =	vmul.f32 v25, v13  }
0x2bf: {  	v11 =	vmul.f32 v35, v11;
	v8 =	vadd.f32 v9, v8;
	v49 =	vmul.f32 v24, v15;
	v54 =	vld.idx.msk [tilespmem:v23+s18+$0x0], $0xffff  }
0x2c0: {  	v56 =	vmul.f32 v47, v10;
	v13 =	vadd.f32 v52, v44;
	v55 =	vmul.f32 v26, v18  }
0x2c1: {  	v59 =	vmul.f32 v51, v12;
	v53 =	vmul.f32 v46, v16;
	v15 =	vadd.f32 v49, v45  }
0x2c2: {  	v10 =	vadd.f32 v56, v13;
	v58 =	vmul.f32 v50, v19;
	v14 =	vadd.f32 v55, v48  }
0x2c3: {  	v11 =	vadd.f32 v11, v28;
	v57 =	vmul.f32 v17, v22;
	v15 =	vadd.f32 v53, v15  }
0x2c4: {  	[tilespmem:s28+$0x380] =	vst v8;
	v8 =	vadd.f32 v59, v10;
	v61 =	vmul.f32 v54, v20;
	v62 =	vadd.f32 v58, v14  }
.Ltmp4:
0x2c5: {  	[tilespmem:s29+$0x380] =	vst v11;
	v60 =	vadd.f32 v57, v15;
	(pc) =	sbr.rel @p1 .LBB2_8-.Ltmp4, $4  }
0x2c6: {  	[tilespmem:s30+$0x380] =	vst v8;
	v63 =	vadd.f32 v61, v62  }
0x2c7: {  	[tilespmem:s5+$0x380] =	vst v60  }
0x2c8: {  	s1 =	sadd.s32 s2, s7;
	[tilespmem:s31+$0x380] =	vst v63  }
0x2c9: {  	[hbm4b:s1+s3] =	stream.linear.scatter [tilespmem:s21], [sflag:$0x4], $0x8000, $0x38;
	[tilespmem:$0x12280] =	vst v63  }
.Ltmp5:
0x2ca: {  	(pc) =	sbr.rel .LBB2_2-.Ltmp5, $4  }
0x2cb: {  	s1 =	sadd.s32 s26, s9  }
0x2cc: {  	s1 =	sshrl.u32 s1, $0x3  }
0x2cd: {  	s25 =	sadd.s32 $0x1, s25;
	s1 =	sadd.s32 s0, s1  }
0x2ce: {  	[tilespmem:s13], [sflag:$0x2] =	stream.linear.gather [hbm4b:s1+s3], $0x1000, $0x38;
	[tilespmem:$0x12280] =	vst v63  }
.LBB2_9:
0x2cf: {  	_ =	sfence.sel $0x180000  }
0x2d0: {  	[bflag:$0x0] =	sbarrier.arrive $0xFFFF  }
0x2d1: {  	_ =	strace $0x90000047  }
0x2d2: {  	s0 =	stileid.u32;
	[bflag:$0x2] =	sbarrier.arrive $0xFFFF  }
0x2d3: {  	p0 =	sne.s32 s0, $0x0;
	s0 =	rddreg [dreg:$0x3]  }
0x2d4: {  	s0 =	sadd.s32 @!p0 $0x100000, s0  }
0x2d5: {  	[sflag:s0] =	ssyncadd.tile.s32 @!p0 $0x1;
	_ =	shalt  }
.Lfunc_end2:
_tile_overlayer_lowered:
.L_overlay_start_2:
0x2d6: {  	(tag) =	ssettag $0x2  }
0x2d7: {  	s0 =	rddreg [dreg:$0x0];
	s2 =	stileid.u32  }
0x2d8: {  	s1 =	rddreg [dreg:$0x1];
	p0 =	sne.s32 s2, $0x0  }
0x2d9: {  	s3 =	rddreg [dreg:$0x2];
	[bflag:$0x3] =	sbarrier.arrive $0xFFFF;
	s2 =	simm.s32 @!p0 $0x1C05  }
0x2da: {  	[timem:s3], [sflag:s2] =	dma.local @!p0 [hbm:s0], s1  }
0x2db: {  	s0 =	simm.s32 @!p0 $0x5  }
0x2dc: {  	_ =	swait.ge @!p0 [sflag:s0], s1  }
0x2dd: {  	s1 =	ssub.s32 @!p0 $0x0, s1;
	[sflag:s0] =	ssyncset.done @!p0 $0x0  }
0x2de: {  	[sflag:s0] =	ssyncadd.s32 @!p0 s1  }
0x2df: {  	[bflag:$0x3] =	sbarrier.arrive $0xFFFF  }
0x2e0: {  	_ =	shalt  }

</sc_bundles>
